<compile_context>
chip_gen: v7x
topology: tpu7x:2x2x1
jax: 0.10.2.dev20260603
libtpu: 0.0.44.dev20260713+nightly
codegen_flags: <defaults>
</compile_context>

<pallas_src>
import functools
import jax
import jax.numpy as jnp
from jax import lax
from jax.experimental import pallas as pl
from jax.experimental.pallas import tpu as pltpu
from jax.experimental.pallas import tpu_sc as plsc

L = 16
NC = 2
NS = 16
NW = NC * NS
K = 80
WB = 400


def _sc_edge_agg(x, src, dst, w):
    N, D = x.shape
    E = src.shape[0]
    ept = E // NW
    nchunk = ept // K
    nz = N // K
    nz_rounds = -(-nz // NS)
    nwb = N // WB
    nwb_rounds = -(-nwb // NS)
    mesh = plsc.VectorSubcoreMesh(core_axis_name="c", subcore_axis_name="s")

    meta = jnp.stack([
        src.reshape(NW, nchunk, K),
        dst.reshape(NW, nchunk, K),
    ], axis=2)
    wrep = jnp.broadcast_to(w.reshape(NW, nchunk, K)[..., None],
                            (NW, nchunk, K, L)).reshape(NW, nchunk, K * L)

    NB = 8
    NBW = 4
    NR = 4

    @functools.partial(
        pl.kernel,
        mesh=mesh,
        out_type=jax.ShapeDtypeStruct((NC, N, D), jnp.float32),
        scratch_types=[
            pltpu.VMEM((NB, 2, K), jnp.int32),
            pltpu.VMEM((NBW, K * L), jnp.float32),
            pltpu.VMEM((NR, K, D), jnp.float32),
            pltpu.VMEM_SHARED((N, D), jnp.float32),
            pltpu.SemaphoreType.DMA,
            pltpu.SemaphoreType.DMA,
            pltpu.SemaphoreType.DMA,
            pltpu.SemaphoreType.DMA,
        ],
    )
    def k(x_hbm, meta_hbm, w_hbm, out_hbm,
          meta_v, w_v, rows_v, acc_sh, msem, wsem, gsem, ssem):
        cid = lax.axis_index("c")
        sid = lax.axis_index("s")
        wid = cid * NS + sid

        def zrow(i, c):
            for j in range(D // L):
                rows_v[0, i, pl.ds(j * L, L)] = jnp.zeros((L,), jnp.float32)
            return c
        lax.fori_loop(0, K, zrow, 0)

        for r in range(nz_rounds):
            zid = sid + r * NS

            @pl.when(zid < nz)
            def _():
                pltpu.sync_copy(rows_v.at[0], acc_sh.at[pl.ds(zid * K, K)])
        plsc.subcore_barrier()

        for j in range(min(5, nchunk)):
            pltpu.async_copy(meta_hbm.at[wid, j], meta_v.at[j], msem)
        for j in range(min(2, nchunk)):
            pltpu.async_copy(w_hbm.at[wid, j], w_v.at[j], wsem)
        for j in range(min(3, nchunk)):
            pltpu.make_async_copy(meta_hbm.at[wid, j], meta_v.at[j],
                                  msem).wait()
            pltpu.async_copy(x_hbm.at[meta_v.at[j, 0]], rows_v.at[j], gsem)

        def chunk(i, c):
            b = lax.rem(i, NR)
            mb = lax.rem(i, NB)
            wb_slot = lax.rem(i, NBW)

            @pl.when(i >= 1)
            def _():
                pltpu.make_async_copy(
                    rows_v.at[lax.rem(i - 1, NR)],
                    acc_sh.at[meta_v.at[lax.rem(i - 1, NB), 1]], ssem).wait()

            @pl.when(i + 5 < nchunk)
            def _():
                pltpu.async_copy(meta_hbm.at[wid, i + 5],
                                 meta_v.at[lax.rem(i + 5, NB)], msem)

            @pl.when(i + 2 < nchunk)
            def _():
                pltpu.async_copy(w_hbm.at[wid, i + 2],
                                 w_v.at[lax.rem(i + 2, NBW)], wsem)

            @pl.when(i + 3 < nchunk)
            def _():
                mb3 = lax.rem(i + 3, NB)
                pltpu.make_async_copy(meta_hbm.at[wid, i + 3],
                                      meta_v.at[mb3], msem).wait()
                pltpu.async_copy(x_hbm.at[meta_v.at[mb3, 0]],
                                 rows_v.at[lax.rem(i + 3, NR)], gsem)

            pltpu.make_async_copy(
                x_hbm.at[meta_v.at[mb, 0]], rows_v.at[b], gsem).wait()
            pltpu.make_async_copy(
                w_hbm.at[wid, i], w_v.at[wb_slot], wsem).wait()

            @plsc.parallel_loop(0, K, unroll=4)
            def _(e):
                wb = w_v[wb_slot, pl.ds(e * L, L)]
                for d in range(D // L):
                    sl = pl.ds(d * L, L)
                    rows_v[b, e, sl] = rows_v[b, e, sl] * wb

            pltpu.async_copy(rows_v.at[b], acc_sh.at[meta_v.at[mb, 1]], ssem,
                             add=True)
            return c
        lax.fori_loop(0, nchunk, chunk, 0)

        pltpu.make_async_copy(
            rows_v.at[(nchunk - 1) % NR],
            acc_sh.at[meta_v.at[(nchunk - 1) % NB, 1]], ssem).wait()
        plsc.subcore_barrier()

        for r in range(nwb_rounds):
            wid_chunk = sid + r * NS

            @pl.when(wid_chunk < nwb)
            def _():
                off = wid_chunk * WB
                pltpu.sync_copy(acc_sh.at[pl.ds(off, WB)],
                                out_hbm.at[cid, pl.ds(off, WB)])

    return k(x, meta, wrep)


def _tc_head(agg2, bvT, Wc, bc, Wp, bp, interpret=False):
    _, N, D = agg2.shape
    G = 128
    C = Wp.shape[1]

    def body(a_ref, bv_ref, wc_ref, bc_ref, wp_ref, bp_ref, o_ref):
        agg = a_ref[0] + a_ref[1]
        emb = jnp.dot(agg, wc_ref[...], preferred_element_type=jnp.float32)
        emb = jnp.maximum(emb + bc_ref[...], 0.0)
        oh = (bv_ref[...] == lax.broadcasted_iota(jnp.int32, (G, N), 0))
        gmat = jnp.dot(oh.astype(jnp.float32), emb,
                       preferred_element_type=jnp.float32)
        o_ref[...] = jnp.dot(gmat, wp_ref[...],
                             preferred_element_type=jnp.float32) + bp_ref[...]

    return pl.pallas_call(
        body,
        out_shape=jax.ShapeDtypeStruct((G, C), jnp.float32),
        interpret=interpret,
    )(agg2, bvT, Wc, bc, Wp, bp)


def kernel(x, edge_index, edge_weight, batch_vec, W_conv, b_conv, W_pred, b_pred):
    src = edge_index[0]
    dst = edge_index[1]
    agg2 = _sc_edge_agg(x, src, dst, edge_weight)
    return _tc_head(agg2,
                    batch_vec.reshape(1, -1).astype(jnp.int32),
                    W_conv,
                    b_conv.reshape(1, -1),
                    W_pred,
                    b_pred.reshape(1, -1))

# --- scband reference (transcript-rebuilt; emitter-appended) ---
"""Pipeline reference for scband-gnn-81372450390362 (READ-ONLY COPY).

The authoritative reference and input builder live on the scoring server;
editing this copy changes nothing except your own understanding.
"""

import jax, jax.numpy as jnp
import numpy as np

N = 10000
E = 320000
D = 128
G = 128
C = 10


def setup_inputs(seed: int = 0) -> dict:
    key = jax.random.key(seed)
    ks = jax.random.split(key, 8)
    x = jax.random.normal(ks[0], (N, D), dtype=jnp.float32)
    edge_index = jax.random.randint(ks[1], (2, E), 0, N)
    edge_weight = jax.random.uniform(ks[2], (E,), dtype=jnp.float32)
    batch_vec = jnp.sort(jax.random.randint(ks[3], (N,), 0, G))
    W_conv = jax.random.normal(ks[4], (D, D), dtype=jnp.float32) * 0.05
    b_conv = jnp.zeros((D,), dtype=jnp.float32)
    W_pred = jax.random.normal(ks[5], (D, C), dtype=jnp.float32) * 0.05
    b_pred = jnp.zeros((C,), dtype=jnp.float32)
    return {
        "x": x,
        "edge_index": edge_index,
        "edge_weight": edge_weight,
        "batch_vec": batch_vec,
        "W_conv": W_conv,
        "b_conv": b_conv,
        "W_pred": W_pred,
        "b_pred": b_pred,
    }


def reference(x, edge_index, edge_weight, batch_vec, W_conv, b_conv, W_pred, b_pred):
    # conv: weighted message passing (GraphConv-style with edge weights)
    src = edge_index[0]
    dst = edge_index[1]
    h = x @ W_conv  # [N, D]
    msg = edge_weight[:, None] * jnp.take(h, src, axis=0)  # gather, [E, D]
    agg = jax.ops.segment_sum(msg, dst, num_segments=N)  # scatter-add, [N, D]
    emb = jax.nn.relu(agg + b_conv)
    # global_add_pool by batch vector -> graph embeddings
    g = jax.ops.segment_sum(emb, batch_vec, num_segments=G)  # [G, D]
    # pred: linear classifier head
    out = g @ W_pred + b_pred  # [G, C]
    return out

if __name__ == "__main__":
    import jax
    _d = setup_inputs()
    print(jax.jit(kernel)(*tuple(_d.values())))

</pallas_src>

<mosaic_0001>
#map = affine_map<(d0, d1) -> (0, 0)>
#map1 = affine_map<(d0, d1) -> (0, 0, 0, 0)>
#map2 = affine_map<(d0, d1) -> (0, 0, 0)>
module attributes {stable_mosaic.version = 14 : i64} {
  func.func @k(%arg0: i32, %arg1: i32, %arg2: memref<10000x128xf32, #tpu.memory_space<hbm>>, %arg3: memref<32x125x2x80xi32, #tpu.memory_space<hbm>>, %arg4: memref<32x125x1280xf32, #tpu.memory_space<hbm>>, %arg5: memref<2x10000x128xf32, #tpu.memory_space<hbm>>, %arg6: memref<8x2x80xi32, #tpu.memory_space<vmem>>, %arg7: memref<4x1280xf32, #tpu.memory_space<vmem>>, %arg8: memref<4x80x128xf32, #tpu.memory_space<vmem>>, %arg9: memref<10000x128xf32, #tpu.memory_space<vmem_shared>>, %arg10: memref<!tpu.dma_semaphore, #tpu.memory_space<semaphore_mem>>, %arg11: memref<!tpu.dma_semaphore, #tpu.memory_space<semaphore_mem>>, %arg12: memref<!tpu.dma_semaphore, #tpu.memory_space<semaphore_mem>>, %arg13: memref<!tpu.dma_semaphore, #tpu.memory_space<semaphore_mem>>) attributes {dimension_semantics = [#tpu.dimension_semantics<core_parallel>, #tpu.dimension_semantics<subcore_parallel>], iteration_bounds = array<i64: 2, 16>, scalar_prefetch = 0 : i64, scratch_operands = 8 : i64, tpu.core_type = #tpu.core_type<sc_vector_subcore>, window_params = [{transform_indices = #map}, {transform_indices = #map1}, {transform_indices = #map2}, {transform_indices = #map2}]} {
    %mul3A = arith.constant 16 : i32
    %mul3A_0 = arith.muli %arg0, %mul3A : i32
    %add3A = arith.addi %mul3A_0, %arg1 : i32
    %scan3A = arith.constant 0 : i32
    %scan3A_1 = arith.constant 0 : i32
    %scan3A_2 = arith.constant 80 : i32
    %scan3A_3 = arith.addi %scan3A_1, %scan3A_2 : i32
    %scan3A_4 = arith.constant 1 : i32
    scf.for %scan3A_302 = %scan3A_1 to %scan3A_3 step %scan3A_4  : i32 {
      %broadcast_in_dim3A = arith.constant 0.000000e+00 : f32
      %broadcast_in_dim3A_303 = vector.broadcast %broadcast_in_dim3A : f32 to vector<16xf32>
      %swap3A = arith.constant 0 : i32
      %swap3A_304 = arith.index_cast %swap3A : i32 to index
      %swap3A_305 = arith.index_cast %scan3A_302 : i32 to index
      %swap3A_306 = arith.constant 0 : index
      %swap3A_307 = tpu.vector_load %arg8[%swap3A_304, %swap3A_305, %swap3A_306] {strides = array<i32>} : memref<4x80x128xf32, #tpu.memory_space<vmem>>, vector<1x1x16xf32>,
      %swap3A_308 = vector.shape_cast %swap3A_307 : vector<1x1x16xf32> to vector<16xf32>
      %swap3A_309 = vector.shape_cast %broadcast_in_dim3A_303 : vector<16xf32> to vector<1x1x16xf32>
      tpu.vector_store %arg8[%swap3A_304, %swap3A_305, %swap3A_306], %swap3A_309 {strides = array<i32>} : memref<4x80x128xf32, #tpu.memory_space<vmem>>, vector<1x1x16xf32>,
      %broadcast_in_dim3A_310 = arith.constant 0.000000e+00 : f32
      %broadcast_in_dim3A_311 = vector.broadcast %broadcast_in_dim3A_310 : f32 to vector<16xf32>
      %swap3A_312 = arith.constant 0 : i32
      %swap3A_313 = arith.index_cast %swap3A_312 : i32 to index
      %swap3A_314 = arith.index_cast %scan3A_302 : i32 to index
      %swap3A_315 = arith.constant 16 : index
      %swap3A_316 = tpu.vector_load %arg8[%swap3A_313, %swap3A_314, %swap3A_315] {strides = array<i32>} : memref<4x80x128xf32, #tpu.memory_space<vmem>>, vector<1x1x16xf32>,
      %swap3A_317 = vector.shape_cast %swap3A_316 : vector<1x1x16xf32> to vector<16xf32>
      %swap3A_318 = vector.shape_cast %broadcast_in_dim3A_311 : vector<16xf32> to vector<1x1x16xf32>
      tpu.vector_store %arg8[%swap3A_313, %swap3A_314, %swap3A_315], %swap3A_318 {strides = array<i32>} : memref<4x80x128xf32, #tpu.memory_space<vmem>>, vector<1x1x16xf32>,
      %broadcast_in_dim3A_319 = arith.constant 0.000000e+00 : f32
      %broadcast_in_dim3A_320 = vector.broadcast %broadcast_in_dim3A_319 : f32 to vector<16xf32>
      %swap3A_321 = arith.constant 0 : i32
      %swap3A_322 = arith.index_cast %swap3A_321 : i32 to index
      %swap3A_323 = arith.index_cast %scan3A_302 : i32 to index
      %swap3A_324 = arith.constant 32 : index
      %swap3A_325 = tpu.vector_load %arg8[%swap3A_322, %swap3A_323, %swap3A_324] {strides = array<i32>} : memref<4x80x128xf32, #tpu.memory_space<vmem>>, vector<1x1x16xf32>,
      %swap3A_326 = vector.shape_cast %swap3A_325 : vector<1x1x16xf32> to vector<16xf32>
      %swap3A_327 = vector.shape_cast %broadcast_in_dim3A_320 : vector<16xf32> to vector<1x1x16xf32>
      tpu.vector_store %arg8[%swap3A_322, %swap3A_323, %swap3A_324], %swap3A_327 {strides = array<i32>} : memref<4x80x128xf32, #tpu.memory_space<vmem>>, vector<1x1x16xf32>,
      %broadcast_in_dim3A_328 = arith.constant 0.000000e+00 : f32
      %broadcast_in_dim3A_329 = vector.broadcast %broadcast_in_dim3A_328 : f32 to vector<16xf32>
      %swap3A_330 = arith.constant 0 : i32
      %swap3A_331 = arith.index_cast %swap3A_330 : i32 to index
      %swap3A_332 = arith.index_cast %scan3A_302 : i32 to index
      %swap3A_333 = arith.constant 48 : index
      %swap3A_334 = tpu.vector_load %arg8[%swap3A_331, %swap3A_332, %swap3A_333] {strides = array<i32>} : memref<4x80x128xf32, #tpu.memory_space<vmem>>, vector<1x1x16xf32>,
      %swap3A_335 = vector.shape_cast %swap3A_334 : vector<1x1x16xf32> to vector<16xf32>
      %swap3A_336 = vector.shape_cast %broadcast_in_dim3A_329 : vector<16xf32> to vector<1x1x16xf32>
      tpu.vector_store %arg8[%swap3A_331, %swap3A_332, %swap3A_333], %swap3A_336 {strides = array<i32>} : memref<4x80x128xf32, #tpu.memory_space<vmem>>, vector<1x1x16xf32>,
      %broadcast_in_dim3A_337 = arith.constant 0.000000e+00 : f32
      %broadcast_in_dim3A_338 = vector.broadcast %broadcast_in_dim3A_337 : f32 to vector<16xf32>
      %swap3A_339 = arith.constant 0 : i32
      %swap3A_340 = arith.index_cast %swap3A_339 : i32 to index
      %swap3A_341 = arith.index_cast %scan3A_302 : i32 to index
      %swap3A_342 = arith.constant 64 : index
      %swap3A_343 = tpu.vector_load %arg8[%swap3A_340, %swap3A_341, %swap3A_342] {strides = array<i32>} : memref<4x80x128xf32, #tpu.memory_space<vmem>>, vector<1x1x16xf32>,
      %swap3A_344 = vector.shape_cast %swap3A_343 : vector<1x1x16xf32> to vector<16xf32>
      %swap3A_345 = vector.shape_cast %broadcast_in_dim3A_338 : vector<16xf32> to vector<1x1x16xf32>
      tpu.vector_store %arg8[%swap3A_340, %swap3A_341, %swap3A_342], %swap3A_345 {strides = array<i32>} : memref<4x80x128xf32, #tpu.memory_space<vmem>>, vector<1x1x16xf32>,
      %broadcast_in_dim3A_346 = arith.constant 0.000000e+00 : f32
      %broadcast_in_dim3A_347 = vector.broadcast %broadcast_in_dim3A_346 : f32 to vector<16xf32>
      %swap3A_348 = arith.constant 0 : i32
      %swap3A_349 = arith.index_cast %swap3A_348 : i32 to index
      %swap3A_350 = arith.index_cast %scan3A_302 : i32 to index
      %swap3A_351 = arith.constant 80 : index
      %swap3A_352 = tpu.vector_load %arg8[%swap3A_349, %swap3A_350, %swap3A_351] {strides = array<i32>} : memref<4x80x128xf32, #tpu.memory_space<vmem>>, vector<1x1x16xf32>,
      %swap3A_353 = vector.shape_cast %swap3A_352 : vector<1x1x16xf32> to vector<16xf32>
      %swap3A_354 = vector.shape_cast %broadcast_in_dim3A_347 : vector<16xf32> to vector<1x1x16xf32>
      tpu.vector_store %arg8[%swap3A_349, %swap3A_350, %swap3A_351], %swap3A_354 {strides = array<i32>} : memref<4x80x128xf32, #tpu.memory_space<vmem>>, vector<1x1x16xf32>,
      %broadcast_in_dim3A_355 = arith.constant 0.000000e+00 : f32
      %broadcast_in_dim3A_356 = vector.broadcast %broadcast_in_dim3A_355 : f32 to vector<16xf32>
      %swap3A_357 = arith.constant 0 : i32
      %swap3A_358 = arith.index_cast %swap3A_357 : i32 to index
      %swap3A_359 = arith.index_cast %scan3A_302 : i32 to index
      %swap3A_360 = arith.constant 96 : index
      %swap3A_361 = tpu.vector_load %arg8[%swap3A_358, %swap3A_359, %swap3A_360] {strides = array<i32>} : memref<4x80x128xf32, #tpu.memory_space<vmem>>, vector<1x1x16xf32>,
      %swap3A_362 = vector.shape_cast %swap3A_361 : vector<1x1x16xf32> to vector<16xf32>
      %swap3A_363 = vector.shape_cast %broadcast_in_dim3A_356 : vector<16xf32> to vector<1x1x16xf32>
      tpu.vector_store %arg8[%swap3A_358, %swap3A_359, %swap3A_360], %swap3A_363 {strides = array<i32>} : memref<4x80x128xf32, #tpu.memory_space<vmem>>, vector<1x1x16xf32>,
      %broadcast_in_dim3A_364 = arith.constant 0.000000e+00 : f32
      %broadcast_in_dim3A_365 = vector.broadcast %broadcast_in_dim3A_364 : f32 to vector<16xf32>
      %swap3A_366 = arith.constant 0 : i32
      %swap3A_367 = arith.index_cast %swap3A_366 : i32 to index
      %swap3A_368 = arith.index_cast %scan3A_302 : i32 to index
      %swap3A_369 = arith.constant 112 : index
      %swap3A_370 = tpu.vector_load %arg8[%swap3A_367, %swap3A_368, %swap3A_369] {strides = array<i32>} : memref<4x80x128xf32, #tpu.memory_space<vmem>>, vector<1x1x16xf32>,
      %swap3A_371 = vector.shape_cast %swap3A_370 : vector<1x1x16xf32> to vector<16xf32>
      %swap3A_372 = vector.shape_cast %broadcast_in_dim3A_365 : vector<16xf32> to vector<1x1x16xf32>
      tpu.vector_store %arg8[%swap3A_367, %swap3A_368, %swap3A_369], %swap3A_372 {strides = array<i32>} : memref<4x80x128xf32, #tpu.memory_space<vmem>>, vector<1x1x16xf32>,
    }
    %scan3A_5 = arith.constant 80 : i32
    %add3A_6 = arith.constant 0 : i32
    %add3A_7 = arith.addi %arg1, %add3A_6 : i32
    %lt3A = arith.constant 125 : i32
    %lt3A_8 = arith.cmpi slt, %add3A_7, %lt3A : i32
    %convert_element_type3A = arith.extui %lt3A_8 : i1 to i32
    %cond3A = arith.constant 0 : i32
    %cond3A_9 = arith.cmpi ne, %convert_element_type3A, %cond3A : i32
    scf.if %cond3A_9 {
      %mul3A_302 = arith.constant 80 : i32
      %mul3A_303 = arith.muli %add3A_7, %mul3A_302 : i32
      %run_scoped3A = arith.constant 0 : i32
      "tpu.region"() ({
        %run_scoped3A_304 = tpu.sem_alloc : memref<!tpu.dma_semaphore, #tpu.memory_space<semaphore_mem>>
        %dma_start3A_305 = arith.constant 0 : i32
        %dma_start3A_306 = arith.constant 0 : i32
        %dma_start3A_307 = tpu.memref_slice %arg8[%run_scoped3A, %dma_start3A_305, %dma_start3A_306] : memref<4x80x128xf32, #tpu.memory_space<vmem>> -> memref<1x80x128xf32, #tpu.memory_space<vmem>>
        %dma_start3A_308 = tpu.memref_squeeze %dma_start3A_307 : memref<1x80x128xf32, #tpu.memory_space<vmem>> -> memref<80x128xf32, #tpu.memory_space<vmem>>
        %dma_start3A_309 = arith.constant 0 : i32
        %dma_start3A_310 = tpu.memref_slice %arg9[%mul3A_303, %dma_start3A_309] : memref<10000x128xf32, #tpu.memory_space<vmem_shared>> -> memref<80x128xf32, #tpu.memory_space<vmem_shared>>
        %dma_start3A_311 = arith.constant 0 : i32
        %dma_start3A_312 = tpu.memref_slice %arg9[%mul3A_303, %dma_start3A_311] : memref<10000x128xf32, #tpu.memory_space<vmem_shared>> -> memref<80x128xf32, #tpu.memory_space<vmem_shared>>
        %dma_start3A_313 = arith.constant 0 : i32
        %dma_start3A_314 = arith.constant 0 : i32
        %dma_start3A_315 = tpu.memref_slice %arg8[%run_scoped3A, %dma_start3A_313, %dma_start3A_314] : memref<4x80x128xf32, #tpu.memory_space<vmem>> -> memref<1x80x128xf32, #tpu.memory_space<vmem>>
        %dma_start3A_316 = tpu.memref_squeeze %dma_start3A_315 : memref<1x80x128xf32, #tpu.memory_space<vmem>> -> memref<80x128xf32, #tpu.memory_space<vmem>>
        tpu.enqueue_dma source(%dma_start3A_316 : memref<80x128xf32, #tpu.memory_space<vmem>>) target(%dma_start3A_312 : memref<80x128xf32, #tpu.memory_space<vmem_shared>>) target_semaphore(%run_scoped3A_304 : memref<!tpu.dma_semaphore, #tpu.memory_space<semaphore_mem>>)
        %dma_wait3A_317 = arith.constant 0 : i32
        %dma_wait3A_318 = arith.constant 0 : i32
        %dma_wait3A_319 = tpu.memref_slice %arg8[%run_scoped3A, %dma_wait3A_317, %dma_wait3A_318] : memref<4x80x128xf32, #tpu.memory_space<vmem>> -> memref<1x80x128xf32, #tpu.memory_space<vmem>>
        %dma_wait3A_320 = tpu.memref_squeeze %dma_wait3A_319 : memref<1x80x128xf32, #tpu.memory_space<vmem>> -> memref<80x128xf32, #tpu.memory_space<vmem>>
        %dma_wait3A_321 = arith.constant 0 : i32
        %dma_wait3A_322 = tpu.memref_slice %arg9[%mul3A_303, %dma_wait3A_321] : memref<10000x128xf32, #tpu.memory_space<vmem_shared>> -> memref<80x128xf32, #tpu.memory_space<vmem_shared>>
        %dma_wait3A_323 = arith.constant 0 : i32
        %dma_wait3A_324 = tpu.memref_slice %arg9[%mul3A_303, %dma_wait3A_323] : memref<10000x128xf32, #tpu.memory_space<vmem_shared>> -> memref<80x128xf32, #tpu.memory_space<vmem_shared>>
        %dma_wait3A_325 = arith.constant 0 : i32
        %dma_wait3A_326 = arith.constant 0 : i32
        %dma_wait3A_327 = tpu.memref_slice %arg8[%run_scoped3A, %dma_wait3A_325, %dma_wait3A_326] : memref<4x80x128xf32, #tpu.memory_space<vmem>> -> memref<1x80x128xf32, #tpu.memory_space<vmem>>
        %dma_wait3A_328 = tpu.memref_squeeze %dma_wait3A_327 : memref<1x80x128xf32, #tpu.memory_space<vmem>> -> memref<80x128xf32, #tpu.memory_space<vmem>>
        tpu.wait_dma2 semaphore(%run_scoped3A_304 : memref<!tpu.dma_semaphore, #tpu.memory_space<semaphore_mem>>) src(%dma_wait3A_328 : memref<80x128xf32, #tpu.memory_space<vmem>>) dst(%dma_wait3A_324 : memref<80x128xf32, #tpu.memory_space<vmem_shared>>)
        tpu.yield
      }) : () -> ()
    } else {
    }
    %add3A_10 = arith.constant 16 : i32
    %add3A_11 = arith.addi %arg1, %add3A_10 : i32
    %lt3A_12 = arith.constant 125 : i32
    %lt3A_13 = arith.cmpi slt, %add3A_11, %lt3A_12 : i32
    %convert_element_type3A_14 = arith.extui %lt3A_13 : i1 to i32
    %cond3A_15 = arith.constant 0 : i32
    %cond3A_16 = arith.cmpi ne, %convert_element_type3A_14, %cond3A_15 : i32
    scf.if %cond3A_16 {
      %mul3A_302 = arith.constant 80 : i32
      %mul3A_303 = arith.muli %add3A_11, %mul3A_302 : i32
      %run_scoped3A = arith.constant 0 : i32
      "tpu.region"() ({
        %run_scoped3A_304 = tpu.sem_alloc : memref<!tpu.dma_semaphore, #tpu.memory_space<semaphore_mem>>
        %dma_start3A_305 = arith.constant 0 : i32
        %dma_start3A_306 = arith.constant 0 : i32
        %dma_start3A_307 = tpu.memref_slice %arg8[%run_scoped3A, %dma_start3A_305, %dma_start3A_306] : memref<4x80x128xf32, #tpu.memory_space<vmem>> -> memref<1x80x128xf32, #tpu.memory_space<vmem>>
        %dma_start3A_308 = tpu.memref_squeeze %dma_start3A_307 : memref<1x80x128xf32, #tpu.memory_space<vmem>> -> memref<80x128xf32, #tpu.memory_space<vmem>>
        %dma_start3A_309 = arith.constant 0 : i32
        %dma_start3A_310 = tpu.memref_slice %arg9[%mul3A_303, %dma_start3A_309] : memref<10000x128xf32, #tpu.memory_space<vmem_shared>> -> memref<80x128xf32, #tpu.memory_space<vmem_shared>>
        %dma_start3A_311 = arith.constant 0 : i32
        %dma_start3A_312 = tpu.memref_slice %arg9[%mul3A_303, %dma_start3A_311] : memref<10000x128xf32, #tpu.memory_space<vmem_shared>> -> memref<80x128xf32, #tpu.memory_space<vmem_shared>>
        %dma_start3A_313 = arith.constant 0 : i32
        %dma_start3A_314 = arith.constant 0 : i32
        %dma_start3A_315 = tpu.memref_slice %arg8[%run_scoped3A, %dma_start3A_313, %dma_start3A_314] : memref<4x80x128xf32, #tpu.memory_space<vmem>> -> memref<1x80x128xf32, #tpu.memory_space<vmem>>
        %dma_start3A_316 = tpu.memref_squeeze %dma_start3A_315 : memref<1x80x128xf32, #tpu.memory_space<vmem>> -> memref<80x128xf32, #tpu.memory_space<vmem>>
        tpu.enqueue_dma source(%dma_start3A_316 : memref<80x128xf32, #tpu.memory_space<vmem>>) target(%dma_start3A_312 : memref<80x128xf32, #tpu.memory_space<vmem_shared>>) target_semaphore(%run_scoped3A_304 : memref<!tpu.dma_semaphore, #tpu.memory_space<semaphore_mem>>)
        %dma_wait3A_317 = arith.constant 0 : i32
        %dma_wait3A_318 = arith.constant 0 : i32
        %dma_wait3A_319 = tpu.memref_slice %arg8[%run_scoped3A, %dma_wait3A_317, %dma_wait3A_318] : memref<4x80x128xf32, #tpu.memory_space<vmem>> -> memref<1x80x128xf32, #tpu.memory_space<vmem>>
        %dma_wait3A_320 = tpu.memref_squeeze %dma_wait3A_319 : memref<1x80x128xf32, #tpu.memory_space<vmem>> -> memref<80x128xf32, #tpu.memory_space<vmem>>
        %dma_wait3A_321 = arith.constant 0 : i32
        %dma_wait3A_322 = tpu.memref_slice %arg9[%mul3A_303, %dma_wait3A_321] : memref<10000x128xf32, #tpu.memory_space<vmem_shared>> -> memref<80x128xf32, #tpu.memory_space<vmem_shared>>
        %dma_wait3A_323 = arith.constant 0 : i32
        %dma_wait3A_324 = tpu.memref_slice %arg9[%mul3A_303, %dma_wait3A_323] : memref<10000x128xf32, #tpu.memory_space<vmem_shared>> -> memref<80x128xf32, #tpu.memory_space<vmem_shared>>
        %dma_wait3A_325 = arith.constant 0 : i32
        %dma_wait3A_326 = arith.constant 0 : i32
        %dma_wait3A_327 = tpu.memref_slice %arg8[%run_scoped3A, %dma_wait3A_325, %dma_wait3A_326] : memref<4x80x128xf32, #tpu.memory_space<vmem>> -> memref<1x80x128xf32, #tpu.memory_space<vmem>>
        %dma_wait3A_328 = tpu.memref_squeeze %dma_wait3A_327 : memref<1x80x128xf32, #tpu.memory_space<vmem>> -> memref<80x128xf32, #tpu.memory_space<vmem>>
        tpu.wait_dma2 semaphore(%run_scoped3A_304 : memref<!tpu.dma_semaphore, #tpu.memory_space<semaphore_mem>>) src(%dma_wait3A_328 : memref<80x128xf32, #tpu.memory_space<vmem>>) dst(%dma_wait3A_324 : memref<80x128xf32, #tpu.memory_space<vmem_shared>>)
        tpu.yield
      }) : () -> ()
    } else {
    }
    %add3A_17 = arith.constant 32 : i32
    %add3A_18 = arith.addi %arg1, %add3A_17 : i32
    %lt3A_19 = arith.constant 125 : i32
    %lt3A_20 = arith.cmpi slt, %add3A_18, %lt3A_19 : i32
    %convert_element_type3A_21 = arith.extui %lt3A_20 : i1 to i32
    %cond3A_22 = arith.constant 0 : i32
    %cond3A_23 = arith.cmpi ne, %convert_element_type3A_21, %cond3A_22 : i32
    scf.if %cond3A_23 {
      %mul3A_302 = arith.constant 80 : i32
      %mul3A_303 = arith.muli %add3A_18, %mul3A_302 : i32
      %run_scoped3A = arith.constant 0 : i32
      "tpu.region"() ({
        %run_scoped3A_304 = tpu.sem_alloc : memref<!tpu.dma_semaphore, #tpu.memory_space<semaphore_mem>>
        %dma_start3A_305 = arith.constant 0 : i32
        %dma_start3A_306 = arith.constant 0 : i32
        %dma_start3A_307 = tpu.memref_slice %arg8[%run_scoped3A, %dma_start3A_305, %dma_start3A_306] : memref<4x80x128xf32, #tpu.memory_space<vmem>> -> memref<1x80x128xf32, #tpu.memory_space<vmem>>
        %dma_start3A_308 = tpu.memref_squeeze %dma_start3A_307 : memref<1x80x128xf32, #tpu.memory_space<vmem>> -> memref<80x128xf32, #tpu.memory_space<vmem>>
        %dma_start3A_309 = arith.constant 0 : i32
        %dma_start3A_310 = tpu.memref_slice %arg9[%mul3A_303, %dma_start3A_309] : memref<10000x128xf32, #tpu.memory_space<vmem_shared>> -> memref<80x128xf32, #tpu.memory_space<vmem_shared>>
        %dma_start3A_311 = arith.constant 0 : i32
        %dma_start3A_312 = tpu.memref_slice %arg9[%mul3A_303, %dma_start3A_311] : memref<10000x128xf32, #tpu.memory_space<vmem_shared>> -> memref<80x128xf32, #tpu.memory_space<vmem_shared>>
        %dma_start3A_313 = arith.constant 0 : i32
        %dma_start3A_314 = arith.constant 0 : i32
        %dma_start3A_315 = tpu.memref_slice %arg8[%run_scoped3A, %dma_start3A_313, %dma_start3A_314] : memref<4x80x128xf32, #tpu.memory_space<vmem>> -> memref<1x80x128xf32, #tpu.memory_space<vmem>>
        %dma_start3A_316 = tpu.memref_squeeze %dma_start3A_315 : memref<1x80x128xf32, #tpu.memory_space<vmem>> -> memref<80x128xf32, #tpu.memory_space<vmem>>
        tpu.enqueue_dma source(%dma_start3A_316 : memref<80x128xf32, #tpu.memory_space<vmem>>) target(%dma_start3A_312 : memref<80x128xf32, #tpu.memory_space<vmem_shared>>) target_semaphore(%run_scoped3A_304 : memref<!tpu.dma_semaphore, #tpu.memory_space<semaphore_mem>>)
        %dma_wait3A_317 = arith.constant 0 : i32
        %dma_wait3A_318 = arith.constant 0 : i32
        %dma_wait3A_319 = tpu.memref_slice %arg8[%run_scoped3A, %dma_wait3A_317, %dma_wait3A_318] : memref<4x80x128xf32, #tpu.memory_space<vmem>> -> memref<1x80x128xf32, #tpu.memory_space<vmem>>
        %dma_wait3A_320 = tpu.memref_squeeze %dma_wait3A_319 : memref<1x80x128xf32, #tpu.memory_space<vmem>> -> memref<80x128xf32, #tpu.memory_space<vmem>>
        %dma_wait3A_321 = arith.constant 0 : i32
        %dma_wait3A_322 = tpu.memref_slice %arg9[%mul3A_303, %dma_wait3A_321] : memref<10000x128xf32, #tpu.memory_space<vmem_shared>> -> memref<80x128xf32, #tpu.memory_space<vmem_shared>>
        %dma_wait3A_323 = arith.constant 0 : i32
        %dma_wait3A_324 = tpu.memref_slice %arg9[%mul3A_303, %dma_wait3A_323] : memref<10000x128xf32, #tpu.memory_space<vmem_shared>> -> memref<80x128xf32, #tpu.memory_space<vmem_shared>>
        %dma_wait3A_325 = arith.constant 0 : i32
        %dma_wait3A_326 = arith.constant 0 : i32
        %dma_wait3A_327 = tpu.memref_slice %arg8[%run_scoped3A, %dma_wait3A_325, %dma_wait3A_326] : memref<4x80x128xf32, #tpu.memory_space<vmem>> -> memref<1x80x128xf32, #tpu.memory_space<vmem>>
        %dma_wait3A_328 = tpu.memref_squeeze %dma_wait3A_327 : memref<1x80x128xf32, #tpu.memory_space<vmem>> -> memref<80x128xf32, #tpu.memory_space<vmem>>
        tpu.wait_dma2 semaphore(%run_scoped3A_304 : memref<!tpu.dma_semaphore, #tpu.memory_space<semaphore_mem>>) src(%dma_wait3A_328 : memref<80x128xf32, #tpu.memory_space<vmem>>) dst(%dma_wait3A_324 : memref<80x128xf32, #tpu.memory_space<vmem_shared>>)
        tpu.yield
      }) : () -> ()
    } else {
    }
    %add3A_24 = arith.constant 48 : i32
    %add3A_25 = arith.addi %arg1, %add3A_24 : i32
    %lt3A_26 = arith.constant 125 : i32
    %lt3A_27 = arith.cmpi slt, %add3A_25, %lt3A_26 : i32
    %convert_element_type3A_28 = arith.extui %lt3A_27 : i1 to i32
    %cond3A_29 = arith.constant 0 : i32
    %cond3A_30 = arith.cmpi ne, %convert_element_type3A_28, %cond3A_29 : i32
    scf.if %cond3A_30 {
      %mul3A_302 = arith.constant 80 : i32
      %mul3A_303 = arith.muli %add3A_25, %mul3A_302 : i32
      %run_scoped3A = arith.constant 0 : i32
      "tpu.region"() ({
        %run_scoped3A_304 = tpu.sem_alloc : memref<!tpu.dma_semaphore, #tpu.memory_space<semaphore_mem>>
        %dma_start3A_305 = arith.constant 0 : i32
        %dma_start3A_306 = arith.constant 0 : i32
        %dma_start3A_307 = tpu.memref_slice %arg8[%run_scoped3A, %dma_start3A_305, %dma_start3A_306] : memref<4x80x128xf32, #tpu.memory_space<vmem>> -> memref<1x80x128xf32, #tpu.memory_space<vmem>>
        %dma_start3A_308 = tpu.memref_squeeze %dma_start3A_307 : memref<1x80x128xf32, #tpu.memory_space<vmem>> -> memref<80x128xf32, #tpu.memory_space<vmem>>
        %dma_start3A_309 = arith.constant 0 : i32
        %dma_start3A_310 = tpu.memref_slice %arg9[%mul3A_303, %dma_start3A_309] : memref<10000x128xf32, #tpu.memory_space<vmem_shared>> -> memref<80x128xf32, #tpu.memory_space<vmem_shared>>
        %dma_start3A_311 = arith.constant 0 : i32
        %dma_start3A_312 = tpu.memref_slice %arg9[%mul3A_303, %dma_start3A_311] : memref<10000x128xf32, #tpu.memory_space<vmem_shared>> -> memref<80x128xf32, #tpu.memory_space<vmem_shared>>
        %dma_start3A_313 = arith.constant 0 : i32
        %dma_start3A_314 = arith.constant 0 : i32
        %dma_start3A_315 = tpu.memref_slice %arg8[%run_scoped3A, %dma_start3A_313, %dma_start3A_314] : memref<4x80x128xf32, #tpu.memory_space<vmem>> -> memref<1x80x128xf32, #tpu.memory_space<vmem>>
        %dma_start3A_316 = tpu.memref_squeeze %dma_start3A_315 : memref<1x80x128xf32, #tpu.memory_space<vmem>> -> memref<80x128xf32, #tpu.memory_space<vmem>>
        tpu.enqueue_dma source(%dma_start3A_316 : memref<80x128xf32, #tpu.memory_space<vmem>>) target(%dma_start3A_312 : memref<80x128xf32, #tpu.memory_space<vmem_shared>>) target_semaphore(%run_scoped3A_304 : memref<!tpu.dma_semaphore, #tpu.memory_space<semaphore_mem>>)
        %dma_wait3A_317 = arith.constant 0 : i32
        %dma_wait3A_318 = arith.constant 0 : i32
        %dma_wait3A_319 = tpu.memref_slice %arg8[%run_scoped3A, %dma_wait3A_317, %dma_wait3A_318] : memref<4x80x128xf32, #tpu.memory_space<vmem>> -> memref<1x80x128xf32, #tpu.memory_space<vmem>>
        %dma_wait3A_320 = tpu.memref_squeeze %dma_wait3A_319 : memref<1x80x128xf32, #tpu.memory_space<vmem>> -> memref<80x128xf32, #tpu.memory_space<vmem>>
        %dma_wait3A_321 = arith.constant 0 : i32
        %dma_wait3A_322 = tpu.memref_slice %arg9[%mul3A_303, %dma_wait3A_321] : memref<10000x128xf32, #tpu.memory_space<vmem_shared>> -> memref<80x128xf32, #tpu.memory_space<vmem_shared>>
        %dma_wait3A_323 = arith.constant 0 : i32
        %dma_wait3A_324 = tpu.memref_slice %arg9[%mul3A_303, %dma_wait3A_323] : memref<10000x128xf32, #tpu.memory_space<vmem_shared>> -> memref<80x128xf32, #tpu.memory_space<vmem_shared>>
        %dma_wait3A_325 = arith.constant 0 : i32
        %dma_wait3A_326 = arith.constant 0 : i32
        %dma_wait3A_327 = tpu.memref_slice %arg8[%run_scoped3A, %dma_wait3A_325, %dma_wait3A_326] : memref<4x80x128xf32, #tpu.memory_space<vmem>> -> memref<1x80x128xf32, #tpu.memory_space<vmem>>
        %dma_wait3A_328 = tpu.memref_squeeze %dma_wait3A_327 : memref<1x80x128xf32, #tpu.memory_space<vmem>> -> memref<80x128xf32, #tpu.memory_space<vmem>>
        tpu.wait_dma2 semaphore(%run_scoped3A_304 : memref<!tpu.dma_semaphore, #tpu.memory_space<semaphore_mem>>) src(%dma_wait3A_328 : memref<80x128xf32, #tpu.memory_space<vmem>>) dst(%dma_wait3A_324 : memref<80x128xf32, #tpu.memory_space<vmem_shared>>)
        tpu.yield
      }) : () -> ()
    } else {
    }
    %add3A_31 = arith.constant 64 : i32
    %add3A_32 = arith.addi %arg1, %add3A_31 : i32
    %lt3A_33 = arith.constant 125 : i32
    %lt3A_34 = arith.cmpi slt, %add3A_32, %lt3A_33 : i32
    %convert_element_type3A_35 = arith.extui %lt3A_34 : i1 to i32
    %cond3A_36 = arith.constant 0 : i32
    %cond3A_37 = arith.cmpi ne, %convert_element_type3A_35, %cond3A_36 : i32
    scf.if %cond3A_37 {
      %mul3A_302 = arith.constant 80 : i32
      %mul3A_303 = arith.muli %add3A_32, %mul3A_302 : i32
      %run_scoped3A = arith.constant 0 : i32
      "tpu.region"() ({
        %run_scoped3A_304 = tpu.sem_alloc : memref<!tpu.dma_semaphore, #tpu.memory_space<semaphore_mem>>
        %dma_start3A_305 = arith.constant 0 : i32
        %dma_start3A_306 = arith.constant 0 : i32
        %dma_start3A_307 = tpu.memref_slice %arg8[%run_scoped3A, %dma_start3A_305, %dma_start3A_306] : memref<4x80x128xf32, #tpu.memory_space<vmem>> -> memref<1x80x128xf32, #tpu.memory_space<vmem>>
        %dma_start3A_308 = tpu.memref_squeeze %dma_start3A_307 : memref<1x80x128xf32, #tpu.memory_space<vmem>> -> memref<80x128xf32, #tpu.memory_space<vmem>>
        %dma_start3A_309 = arith.constant 0 : i32
        %dma_start3A_310 = tpu.memref_slice %arg9[%mul3A_303, %dma_start3A_309] : memref<10000x128xf32, #tpu.memory_space<vmem_shared>> -> memref<80x128xf32, #tpu.memory_space<vmem_shared>>
        %dma_start3A_311 = arith.constant 0 : i32
        %dma_start3A_312 = tpu.memref_slice %arg9[%mul3A_303, %dma_start3A_311] : memref<10000x128xf32, #tpu.memory_space<vmem_shared>> -> memref<80x128xf32, #tpu.memory_space<vmem_shared>>
        %dma_start3A_313 = arith.constant 0 : i32
        %dma_start3A_314 = arith.constant 0 : i32
        %dma_start3A_315 = tpu.memref_slice %arg8[%run_scoped3A, %dma_start3A_313, %dma_start3A_314] : memref<4x80x128xf32, #tpu.memory_space<vmem>> -> memref<1x80x128xf32, #tpu.memory_space<vmem>>
        %dma_start3A_316 = tpu.memref_squeeze %dma_start3A_315 : memref<1x80x128xf32, #tpu.memory_space<vmem>> -> memref<80x128xf32, #tpu.memory_space<vmem>>
        tpu.enqueue_dma source(%dma_start3A_316 : memref<80x128xf32, #tpu.memory_space<vmem>>) target(%dma_start3A_312 : memref<80x128xf32, #tpu.memory_space<vmem_shared>>) target_semaphore(%run_scoped3A_304 : memref<!tpu.dma_semaphore, #tpu.memory_space<semaphore_mem>>)
        %dma_wait3A_317 = arith.constant 0 : i32
        %dma_wait3A_318 = arith.constant 0 : i32
        %dma_wait3A_319 = tpu.memref_slice %arg8[%run_scoped3A, %dma_wait3A_317, %dma_wait3A_318] : memref<4x80x128xf32, #tpu.memory_space<vmem>> -> memref<1x80x128xf32, #tpu.memory_space<vmem>>
        %dma_wait3A_320 = tpu.memref_squeeze %dma_wait3A_319 : memref<1x80x128xf32, #tpu.memory_space<vmem>> -> memref<80x128xf32, #tpu.memory_space<vmem>>
        %dma_wait3A_321 = arith.constant 0 : i32
        %dma_wait3A_322 = tpu.memref_slice %arg9[%mul3A_303, %dma_wait3A_321] : memref<10000x128xf32, #tpu.memory_space<vmem_shared>> -> memref<80x128xf32, #tpu.memory_space<vmem_shared>>
        %dma_wait3A_323 = arith.constant 0 : i32
        %dma_wait3A_324 = tpu.memref_slice %arg9[%mul3A_303, %dma_wait3A_323] : memref<10000x128xf32, #tpu.memory_space<vmem_shared>> -> memref<80x128xf32, #tpu.memory_space<vmem_shared>>
        %dma_wait3A_325 = arith.constant 0 : i32
        %dma_wait3A_326 = arith.constant 0 : i32
        %dma_wait3A_327 = tpu.memref_slice %arg8[%run_scoped3A, %dma_wait3A_325, %dma_wait3A_326] : memref<4x80x128xf32, #tpu.memory_space<vmem>> -> memref<1x80x128xf32, #tpu.memory_space<vmem>>
        %dma_wait3A_328 = tpu.memref_squeeze %dma_wait3A_327 : memref<1x80x128xf32, #tpu.memory_space<vmem>> -> memref<80x128xf32, #tpu.memory_space<vmem>>
        tpu.wait_dma2 semaphore(%run_scoped3A_304 : memref<!tpu.dma_semaphore, #tpu.memory_space<semaphore_mem>>) src(%dma_wait3A_328 : memref<80x128xf32, #tpu.memory_space<vmem>>) dst(%dma_wait3A_324 : memref<80x128xf32, #tpu.memory_space<vmem_shared>>)
        tpu.yield
      }) : () -> ()
    } else {
    }
    %add3A_38 = arith.constant 80 : i32
    %add3A_39 = arith.addi %arg1, %add3A_38 : i32
    %lt3A_40 = arith.constant 125 : i32
    %lt3A_41 = arith.cmpi slt, %add3A_39, %lt3A_40 : i32
    %convert_element_type3A_42 = arith.extui %lt3A_41 : i1 to i32
    %cond3A_43 = arith.constant 0 : i32
    %cond3A_44 = arith.cmpi ne, %convert_element_type3A_42, %cond3A_43 : i32
    scf.if %cond3A_44 {
      %mul3A_302 = arith.constant 80 : i32
      %mul3A_303 = arith.muli %add3A_39, %mul3A_302 : i32
      %run_scoped3A = arith.constant 0 : i32
      "tpu.region"() ({
        %run_scoped3A_304 = tpu.sem_alloc : memref<!tpu.dma_semaphore, #tpu.memory_space<semaphore_mem>>
        %dma_start3A_305 = arith.constant 0 : i32
        %dma_start3A_306 = arith.constant 0 : i32
        %dma_start3A_307 = tpu.memref_slice %arg8[%run_scoped3A, %dma_start3A_305, %dma_start3A_306] : memref<4x80x128xf32, #tpu.memory_space<vmem>> -> memref<1x80x128xf32, #tpu.memory_space<vmem>>
        %dma_start3A_308 = tpu.memref_squeeze %dma_start3A_307 : memref<1x80x128xf32, #tpu.memory_space<vmem>> -> memref<80x128xf32, #tpu.memory_space<vmem>>
        %dma_start3A_309 = arith.constant 0 : i32
        %dma_start3A_310 = tpu.memref_slice %arg9[%mul3A_303, %dma_start3A_309] : memref<10000x128xf32, #tpu.memory_space<vmem_shared>> -> memref<80x128xf32, #tpu.memory_space<vmem_shared>>
        %dma_start3A_311 = arith.constant 0 : i32
        %dma_start3A_312 = tpu.memref_slice %arg9[%mul3A_303, %dma_start3A_311] : memref<10000x128xf32, #tpu.memory_space<vmem_shared>> -> memref<80x128xf32, #tpu.memory_space<vmem_shared>>
        %dma_start3A_313 = arith.constant 0 : i32
        %dma_start3A_314 = arith.constant 0 : i32
        %dma_start3A_315 = tpu.memref_slice %arg8[%run_scoped3A, %dma_start3A_313, %dma_start3A_314] : memref<4x80x128xf32, #tpu.memory_space<vmem>> -> memref<1x80x128xf32, #tpu.memory_space<vmem>>
        %dma_start3A_316 = tpu.memref_squeeze %dma_start3A_315 : memref<1x80x128xf32, #tpu.memory_space<vmem>> -> memref<80x128xf32, #tpu.memory_space<vmem>>
        tpu.enqueue_dma source(%dma_start3A_316 : memref<80x128xf32, #tpu.memory_space<vmem>>) target(%dma_start3A_312 : memref<80x128xf32, #tpu.memory_space<vmem_shared>>) target_semaphore(%run_scoped3A_304 : memref<!tpu.dma_semaphore, #tpu.memory_space<semaphore_mem>>)
        %dma_wait3A_317 = arith.constant 0 : i32
        %dma_wait3A_318 = arith.constant 0 : i32
        %dma_wait3A_319 = tpu.memref_slice %arg8[%run_scoped3A, %dma_wait3A_317, %dma_wait3A_318] : memref<4x80x128xf32, #tpu.memory_space<vmem>> -> memref<1x80x128xf32, #tpu.memory_space<vmem>>
        %dma_wait3A_320 = tpu.memref_squeeze %dma_wait3A_319 : memref<1x80x128xf32, #tpu.memory_space<vmem>> -> memref<80x128xf32, #tpu.memory_space<vmem>>
        %dma_wait3A_321 = arith.constant 0 : i32
        %dma_wait3A_322 = tpu.memref_slice %arg9[%mul3A_303, %dma_wait3A_321] : memref<10000x128xf32, #tpu.memory_space<vmem_shared>> -> memref<80x128xf32, #tpu.memory_space<vmem_shared>>
        %dma_wait3A_323 = arith.constant 0 : i32
        %dma_wait3A_324 = tpu.memref_slice %arg9[%mul3A_303, %dma_wait3A_323] : memref<10000x128xf32, #tpu.memory_space<vmem_shared>> -> memref<80x128xf32, #tpu.memory_space<vmem_shared>>
        %dma_wait3A_325 = arith.constant 0 : i32
        %dma_wait3A_326 = arith.constant 0 : i32
        %dma_wait3A_327 = tpu.memref_slice %arg8[%run_scoped3A, %dma_wait3A_325, %dma_wait3A_326] : memref<4x80x128xf32, #tpu.memory_space<vmem>> -> memref<1x80x128xf32, #tpu.memory_space<vmem>>
        %dma_wait3A_328 = tpu.memref_squeeze %dma_wait3A_327 : memref<1x80x128xf32, #tpu.memory_space<vmem>> -> memref<80x128xf32, #tpu.memory_space<vmem>>
        tpu.wait_dma2 semaphore(%run_scoped3A_304 : memref<!tpu.dma_semaphore, #tpu.memory_space<semaphore_mem>>) src(%dma_wait3A_328 : memref<80x128xf32, #tpu.memory_space<vmem>>) dst(%dma_wait3A_324 : memref<80x128xf32, #tpu.memory_space<vmem_shared>>)
        tpu.yield
      }) : () -> ()
    } else {
    }
    %add3A_45 = arith.constant 96 : i32
    %add3A_46 = arith.addi %arg1, %add3A_45 : i32
    %lt3A_47 = arith.constant 125 : i32
    %lt3A_48 = arith.cmpi slt, %add3A_46, %lt3A_47 : i32
    %convert_element_type3A_49 = arith.extui %lt3A_48 : i1 to i32
    %cond3A_50 = arith.constant 0 : i32
    %cond3A_51 = arith.cmpi ne, %convert_element_type3A_49, %cond3A_50 : i32
    scf.if %cond3A_51 {
      %mul3A_302 = arith.constant 80 : i32
      %mul3A_303 = arith.muli %add3A_46, %mul3A_302 : i32
      %run_scoped3A = arith.constant 0 : i32
      "tpu.region"() ({
        %run_scoped3A_304 = tpu.sem_alloc : memref<!tpu.dma_semaphore, #tpu.memory_space<semaphore_mem>>
        %dma_start3A_305 = arith.constant 0 : i32
        %dma_start3A_306 = arith.constant 0 : i32
        %dma_start3A_307 = tpu.memref_slice %arg8[%run_scoped3A, %dma_start3A_305, %dma_start3A_306] : memref<4x80x128xf32, #tpu.memory_space<vmem>> -> memref<1x80x128xf32, #tpu.memory_space<vmem>>
        %dma_start3A_308 = tpu.memref_squeeze %dma_start3A_307 : memref<1x80x128xf32, #tpu.memory_space<vmem>> -> memref<80x128xf32, #tpu.memory_space<vmem>>
        %dma_start3A_309 = arith.constant 0 : i32
        %dma_start3A_310 = tpu.memref_slice %arg9[%mul3A_303, %dma_start3A_309] : memref<10000x128xf32, #tpu.memory_space<vmem_shared>> -> memref<80x128xf32, #tpu.memory_space<vmem_shared>>
        %dma_start3A_311 = arith.constant 0 : i32
        %dma_start3A_312 = tpu.memref_slice %arg9[%mul3A_303, %dma_start3A_311] : memref<10000x128xf32, #tpu.memory_space<vmem_shared>> -> memref<80x128xf32, #tpu.memory_space<vmem_shared>>
        %dma_start3A_313 = arith.constant 0 : i32
        %dma_start3A_314 = arith.constant 0 : i32
        %dma_start3A_315 = tpu.memref_slice %arg8[%run_scoped3A, %dma_start3A_313, %dma_start3A_314] : memref<4x80x128xf32, #tpu.memory_space<vmem>> -> memref<1x80x128xf32, #tpu.memory_space<vmem>>
        %dma_start3A_316 = tpu.memref_squeeze %dma_start3A_315 : memref<1x80x128xf32, #tpu.memory_space<vmem>> -> memref<80x128xf32, #tpu.memory_space<vmem>>
        tpu.enqueue_dma source(%dma_start3A_316 : memref<80x128xf32, #tpu.memory_space<vmem>>) target(%dma_start3A_312 : memref<80x128xf32, #tpu.memory_space<vmem_shared>>) target_semaphore(%run_scoped3A_304 : memref<!tpu.dma_semaphore, #tpu.memory_space<semaphore_mem>>)
        %dma_wait3A_317 = arith.constant 0 : i32
        %dma_wait3A_318 = arith.constant 0 : i32
        %dma_wait3A_319 = tpu.memref_slice %arg8[%run_scoped3A, %dma_wait3A_317, %dma_wait3A_318] : memref<4x80x128xf32, #tpu.memory_space<vmem>> -> memref<1x80x128xf32, #tpu.memory_space<vmem>>
        %dma_wait3A_320 = tpu.memref_squeeze %dma_wait3A_319 : memref<1x80x128xf32, #tpu.memory_space<vmem>> -> memref<80x128xf32, #tpu.memory_space<vmem>>
        %dma_wait3A_321 = arith.constant 0 : i32
        %dma_wait3A_322 = tpu.memref_slice %arg9[%mul3A_303, %dma_wait3A_321] : memref<10000x128xf32, #tpu.memory_space<vmem_shared>> -> memref<80x128xf32, #tpu.memory_space<vmem_shared>>
        %dma_wait3A_323 = arith.constant 0 : i32
        %dma_wait3A_324 = tpu.memref_slice %arg9[%mul3A_303, %dma_wait3A_323] : memref<10000x128xf32, #tpu.memory_space<vmem_shared>> -> memref<80x128xf32, #tpu.memory_space<vmem_shared>>
        %dma_wait3A_325 = arith.constant 0 : i32
        %dma_wait3A_326 = arith.constant 0 : i32
        %dma_wait3A_327 = tpu.memref_slice %arg8[%run_scoped3A, %dma_wait3A_325, %dma_wait3A_326] : memref<4x80x128xf32, #tpu.memory_space<vmem>> -> memref<1x80x128xf32, #tpu.memory_space<vmem>>
        %dma_wait3A_328 = tpu.memref_squeeze %dma_wait3A_327 : memref<1x80x128xf32, #tpu.memory_space<vmem>> -> memref<80x128xf32, #tpu.memory_space<vmem>>
        tpu.wait_dma2 semaphore(%run_scoped3A_304 : memref<!tpu.dma_semaphore, #tpu.memory_space<semaphore_mem>>) src(%dma_wait3A_328 : memref<80x128xf32, #tpu.memory_space<vmem>>) dst(%dma_wait3A_324 : memref<80x128xf32, #tpu.memory_space<vmem_shared>>)
        tpu.yield
      }) : () -> ()
    } else {
    }
    %add3A_52 = arith.constant 112 : i32
    %add3A_53 = arith.addi %arg1, %add3A_52 : i32
    %lt3A_54 = arith.constant 125 : i32
    %lt3A_55 = arith.cmpi slt, %add3A_53, %lt3A_54 : i32
    %convert_element_type3A_56 = arith.extui %lt3A_55 : i1 to i32
    %cond3A_57 = arith.constant 0 : i32
    %cond3A_58 = arith.cmpi ne, %convert_element_type3A_56, %cond3A_57 : i32
    scf.if %cond3A_58 {
      %mul3A_302 = arith.constant 80 : i32
      %mul3A_303 = arith.muli %add3A_53, %mul3A_302 : i32
      %run_scoped3A = arith.constant 0 : i32
      "tpu.region"() ({
        %run_scoped3A_304 = tpu.sem_alloc : memref<!tpu.dma_semaphore, #tpu.memory_space<semaphore_mem>>
        %dma_start3A_305 = arith.constant 0 : i32
        %dma_start3A_306 = arith.constant 0 : i32
        %dma_start3A_307 = tpu.memref_slice %arg8[%run_scoped3A, %dma_start3A_305, %dma_start3A_306] : memref<4x80x128xf32, #tpu.memory_space<vmem>> -> memref<1x80x128xf32, #tpu.memory_space<vmem>>
        %dma_start3A_308 = tpu.memref_squeeze %dma_start3A_307 : memref<1x80x128xf32, #tpu.memory_space<vmem>> -> memref<80x128xf32, #tpu.memory_space<vmem>>
        %dma_start3A_309 = arith.constant 0 : i32
        %dma_start3A_310 = tpu.memref_slice %arg9[%mul3A_303, %dma_start3A_309] : memref<10000x128xf32, #tpu.memory_space<vmem_shared>> -> memref<80x128xf32, #tpu.memory_space<vmem_shared>>
        %dma_start3A_311 = arith.constant 0 : i32
        %dma_start3A_312 = tpu.memref_slice %arg9[%mul3A_303, %dma_start3A_311] : memref<10000x128xf32, #tpu.memory_space<vmem_shared>> -> memref<80x128xf32, #tpu.memory_space<vmem_shared>>
        %dma_start3A_313 = arith.constant 0 : i32
        %dma_start3A_314 = arith.constant 0 : i32
        %dma_start3A_315 = tpu.memref_slice %arg8[%run_scoped3A, %dma_start3A_313, %dma_start3A_314] : memref<4x80x128xf32, #tpu.memory_space<vmem>> -> memref<1x80x128xf32, #tpu.memory_space<vmem>>
        %dma_start3A_316 = tpu.memref_squeeze %dma_start3A_315 : memref<1x80x128xf32, #tpu.memory_space<vmem>> -> memref<80x128xf32, #tpu.memory_space<vmem>>
        tpu.enqueue_dma source(%dma_start3A_316 : memref<80x128xf32, #tpu.memory_space<vmem>>) target(%dma_start3A_312 : memref<80x128xf32, #tpu.memory_space<vmem_shared>>) target_semaphore(%run_scoped3A_304 : memref<!tpu.dma_semaphore, #tpu.memory_space<semaphore_mem>>)
        %dma_wait3A_317 = arith.constant 0 : i32
        %dma_wait3A_318 = arith.constant 0 : i32
        %dma_wait3A_319 = tpu.memref_slice %arg8[%run_scoped3A, %dma_wait3A_317, %dma_wait3A_318] : memref<4x80x128xf32, #tpu.memory_space<vmem>> -> memref<1x80x128xf32, #tpu.memory_space<vmem>>
        %dma_wait3A_320 = tpu.memref_squeeze %dma_wait3A_319 : memref<1x80x128xf32, #tpu.memory_space<vmem>> -> memref<80x128xf32, #tpu.memory_space<vmem>>
        %dma_wait3A_321 = arith.constant 0 : i32
        %dma_wait3A_322 = tpu.memref_slice %arg9[%mul3A_303, %dma_wait3A_321] : memref<10000x128xf32, #tpu.memory_space<vmem_shared>> -> memref<80x128xf32, #tpu.memory_space<vmem_shared>>
        %dma_wait3A_323 = arith.constant 0 : i32
        %dma_wait3A_324 = tpu.memref_slice %arg9[%mul3A_303, %dma_wait3A_323] : memref<10000x128xf32, #tpu.memory_space<vmem_shared>> -> memref<80x128xf32, #tpu.memory_space<vmem_shared>>
        %dma_wait3A_325 = arith.constant 0 : i32
        %dma_wait3A_326 = arith.constant 0 : i32
        %dma_wait3A_327 = tpu.memref_slice %arg8[%run_scoped3A, %dma_wait3A_325, %dma_wait3A_326] : memref<4x80x128xf32, #tpu.memory_space<vmem>> -> memref<1x80x128xf32, #tpu.memory_space<vmem>>
        %dma_wait3A_328 = tpu.memref_squeeze %dma_wait3A_327 : memref<1x80x128xf32, #tpu.memory_space<vmem>> -> memref<80x128xf32, #tpu.memory_space<vmem>>
        tpu.wait_dma2 semaphore(%run_scoped3A_304 : memref<!tpu.dma_semaphore, #tpu.memory_space<semaphore_mem>>) src(%dma_wait3A_328 : memref<80x128xf32, #tpu.memory_space<vmem>>) dst(%dma_wait3A_324 : memref<80x128xf32, #tpu.memory_space<vmem_shared>>)
        tpu.yield
      }) : () -> ()
    } else {
    }
    %barrier3A = arith.constant 0 : index
    tpu.barrier barrier_id(%barrier3A)
    %dma_start3A = arith.constant 0 : i32
    %dma_start3A_59 = arith.constant 0 : i32
    %dma_start3A_60 = arith.constant 0 : i32
    %dma_start3A_61 = arith.constant 0 : i32
    %dma_start3A_62 = tpu.memref_slice %arg6[%dma_start3A_59, %dma_start3A_60, %dma_start3A_61] : memref<8x2x80xi32, #tpu.memory_space<vmem>> -> memref<1x2x80xi32, #tpu.memory_space<vmem>>
    %dma_start3A_63 = tpu.memref_squeeze %dma_start3A_62 : memref<1x2x80xi32, #tpu.memory_space<vmem>> -> memref<2x80xi32, #tpu.memory_space<vmem>>
    %dma_start3A_64 = arith.constant 0 : i32
    %dma_start3A_65 = arith.constant 0 : i32
    %dma_start3A_66 = tpu.memref_slice %arg3[%add3A, %dma_start3A, %dma_start3A_64, %dma_start3A_65] : memref<32x125x2x80xi32, #tpu.memory_space<hbm>> -> memref<1x1x2x80xi32, #tpu.memory_space<hbm>>
    %dma_start3A_67 = tpu.memref_squeeze %dma_start3A_66 : memref<1x1x2x80xi32, #tpu.memory_space<hbm>> -> memref<2x80xi32, #tpu.memory_space<hbm>>
    %dma_start3A_68 = arith.constant 0 : i32
    %dma_start3A_69 = arith.constant 0 : i32
    %dma_start3A_70 = tpu.memref_slice %arg6[%dma_start3A_59, %dma_start3A_68, %dma_start3A_69] : memref<8x2x80xi32, #tpu.memory_space<vmem>> -> memref<1x2x80xi32, #tpu.memory_space<vmem>>
    %dma_start3A_71 = tpu.memref_squeeze %dma_start3A_70 : memref<1x2x80xi32, #tpu.memory_space<vmem>> -> memref<2x80xi32, #tpu.memory_space<vmem>>
    %dma_start3A_72 = arith.constant 0 : i32
    %dma_start3A_73 = arith.constant 0 : i32
    %dma_start3A_74 = tpu.memref_slice %arg3[%add3A, %dma_start3A, %dma_start3A_72, %dma_start3A_73] : memref<32x125x2x80xi32, #tpu.memory_space<hbm>> -> memref<1x1x2x80xi32, #tpu.memory_space<hbm>>
    %dma_start3A_75 = tpu.memref_squeeze %dma_start3A_74 : memref<1x1x2x80xi32, #tpu.memory_space<hbm>> -> memref<2x80xi32, #tpu.memory_space<hbm>>
    tpu.enqueue_dma source(%dma_start3A_75 : memref<2x80xi32, #tpu.memory_space<hbm>>) target(%dma_start3A_71 : memref<2x80xi32, #tpu.memory_space<vmem>>) target_semaphore(%arg10 : memref<!tpu.dma_semaphore, #tpu.memory_space<semaphore_mem>>)
    %dma_start3A_76 = arith.constant 1 : i32
    %dma_start3A_77 = arith.constant 1 : i32
    %dma_start3A_78 = arith.constant 0 : i32
    %dma_start3A_79 = arith.constant 0 : i32
    %dma_start3A_80 = tpu.memref_slice %arg6[%dma_start3A_77, %dma_start3A_78, %dma_start3A_79] : memref<8x2x80xi32, #tpu.memory_space<vmem>> -> memref<1x2x80xi32, #tpu.memory_space<vmem>>
    %dma_start3A_81 = tpu.memref_squeeze %dma_start3A_80 : memref<1x2x80xi32, #tpu.memory_space<vmem>> -> memref<2x80xi32, #tpu.memory_space<vmem>>
    %dma_start3A_82 = arith.constant 0 : i32
    %dma_start3A_83 = arith.constant 0 : i32
    %dma_start3A_84 = tpu.memref_slice %arg3[%add3A, %dma_start3A_76, %dma_start3A_82, %dma_start3A_83] : memref<32x125x2x80xi32, #tpu.memory_space<hbm>> -> memref<1x1x2x80xi32, #tpu.memory_space<hbm>>
    %dma_start3A_85 = tpu.memref_squeeze %dma_start3A_84 : memref<1x1x2x80xi32, #tpu.memory_space<hbm>> -> memref<2x80xi32, #tpu.memory_space<hbm>>
    %dma_start3A_86 = arith.constant 0 : i32
    %dma_start3A_87 = arith.constant 0 : i32
    %dma_start3A_88 = tpu.memref_slice %arg6[%dma_start3A_77, %dma_start3A_86, %dma_start3A_87] : memref<8x2x80xi32, #tpu.memory_space<vmem>> -> memref<1x2x80xi32, #tpu.memory_space<vmem>>
    %dma_start3A_89 = tpu.memref_squeeze %dma_start3A_88 : memref<1x2x80xi32, #tpu.memory_space<vmem>> -> memref<2x80xi32, #tpu.memory_space<vmem>>
    %dma_start3A_90 = arith.constant 0 : i32
    %dma_start3A_91 = arith.constant 0 : i32
    %dma_start3A_92 = tpu.memref_slice %arg3[%add3A, %dma_start3A_76, %dma_start3A_90, %dma_start3A_91] : memref<32x125x2x80xi32, #tpu.memory_space<hbm>> -> memref<1x1x2x80xi32, #tpu.memory_space<hbm>>
    %dma_start3A_93 = tpu.memref_squeeze %dma_start3A_92 : memref<1x1x2x80xi32, #tpu.memory_space<hbm>> -> memref<2x80xi32, #tpu.memory_space<hbm>>
    tpu.enqueue_dma source(%dma_start3A_93 : memref<2x80xi32, #tpu.memory_space<hbm>>) target(%dma_start3A_89 : memref<2x80xi32, #tpu.memory_space<vmem>>) target_semaphore(%arg10 : memref<!tpu.dma_semaphore, #tpu.memory_space<semaphore_mem>>)
    %dma_start3A_94 = arith.constant 2 : i32
    %dma_start3A_95 = arith.constant 2 : i32
    %dma_start3A_96 = arith.constant 0 : i32
    %dma_start3A_97 = arith.constant 0 : i32
    %dma_start3A_98 = tpu.memref_slice %arg6[%dma_start3A_95, %dma_start3A_96, %dma_start3A_97] : memref<8x2x80xi32, #tpu.memory_space<vmem>> -> memref<1x2x80xi32, #tpu.memory_space<vmem>>
    %dma_start3A_99 = tpu.memref_squeeze %dma_start3A_98 : memref<1x2x80xi32, #tpu.memory_space<vmem>> -> memref<2x80xi32, #tpu.memory_space<vmem>>
    %dma_start3A_100 = arith.constant 0 : i32
    %dma_start3A_101 = arith.constant 0 : i32
    %dma_start3A_102 = tpu.memref_slice %arg3[%add3A, %dma_start3A_94, %dma_start3A_100, %dma_start3A_101] : memref<32x125x2x80xi32, #tpu.memory_space<hbm>> -> memref<1x1x2x80xi32, #tpu.memory_space<hbm>>
    %dma_start3A_103 = tpu.memref_squeeze %dma_start3A_102 : memref<1x1x2x80xi32, #tpu.memory_space<hbm>> -> memref<2x80xi32, #tpu.memory_space<hbm>>
    %dma_start3A_104 = arith.constant 0 : i32
    %dma_start3A_105 = arith.constant 0 : i32
    %dma_start3A_106 = tpu.memref_slice %arg6[%dma_start3A_95, %dma_start3A_104, %dma_start3A_105] : memref<8x2x80xi32, #tpu.memory_space<vmem>> -> memref<1x2x80xi32, #tpu.memory_space<vmem>>
    %dma_start3A_107 = tpu.memref_squeeze %dma_start3A_106 : memref<1x2x80xi32, #tpu.memory_space<vmem>> -> memref<2x80xi32, #tpu.memory_space<vmem>>
    %dma_start3A_108 = arith.constant 0 : i32
    %dma_start3A_109 = arith.constant 0 : i32
    %dma_start3A_110 = tpu.memref_slice %arg3[%add3A, %dma_start3A_94, %dma_start3A_108, %dma_start3A_109] : memref<32x125x2x80xi32, #tpu.memory_space<hbm>> -> memref<1x1x2x80xi32, #tpu.memory_space<hbm>>
    %dma_start3A_111 = tpu.memref_squeeze %dma_start3A_110 : memref<1x1x2x80xi32, #tpu.memory_space<hbm>> -> memref<2x80xi32, #tpu.memory_space<hbm>>
    tpu.enqueue_dma source(%dma_start3A_111 : memref<2x80xi32, #tpu.memory_space<hbm>>) target(%dma_start3A_107 : memref<2x80xi32, #tpu.memory_space<vmem>>) target_semaphore(%arg10 : memref<!tpu.dma_semaphore, #tpu.memory_space<semaphore_mem>>)
    %dma_start3A_112 = arith.constant 3 : i32
    %dma_start3A_113 = arith.constant 3 : i32
    %dma_start3A_114 = arith.constant 0 : i32
    %dma_start3A_115 = arith.constant 0 : i32
    %dma_start3A_116 = tpu.memref_slice %arg6[%dma_start3A_113, %dma_start3A_114, %dma_start3A_115] : memref<8x2x80xi32, #tpu.memory_space<vmem>> -> memref<1x2x80xi32, #tpu.memory_space<vmem>>
    %dma_start3A_117 = tpu.memref_squeeze %dma_start3A_116 : memref<1x2x80xi32, #tpu.memory_space<vmem>> -> memref<2x80xi32, #tpu.memory_space<vmem>>
    %dma_start3A_118 = arith.constant 0 : i32
    %dma_start3A_119 = arith.constant 0 : i32
    %dma_start3A_120 = tpu.memref_slice %arg3[%add3A, %dma_start3A_112, %dma_start3A_118, %dma_start3A_119] : memref<32x125x2x80xi32, #tpu.memory_space<hbm>> -> memref<1x1x2x80xi32, #tpu.memory_space<hbm>>
    %dma_start3A_121 = tpu.memref_squeeze %dma_start3A_120 : memref<1x1x2x80xi32, #tpu.memory_space<hbm>> -> memref<2x80xi32, #tpu.memory_space<hbm>>
    %dma_start3A_122 = arith.constant 0 : i32
    %dma_start3A_123 = arith.constant 0 : i32
    %dma_start3A_124 = tpu.memref_slice %arg6[%dma_start3A_113, %dma_start3A_122, %dma_start3A_123] : memref<8x2x80xi32, #tpu.memory_space<vmem>> -> memref<1x2x80xi32, #tpu.memory_space<vmem>>
    %dma_start3A_125 = tpu.memref_squeeze %dma_start3A_124 : memref<1x2x80xi32, #tpu.memory_space<vmem>> -> memref<2x80xi32, #tpu.memory_space<vmem>>
    %dma_start3A_126 = arith.constant 0 : i32
    %dma_start3A_127 = arith.constant 0 : i32
    %dma_start3A_128 = tpu.memref_slice %arg3[%add3A, %dma_start3A_112, %dma_start3A_126, %dma_start3A_127] : memref<32x125x2x80xi32, #tpu.memory_space<hbm>> -> memref<1x1x2x80xi32, #tpu.memory_space<hbm>>
    %dma_start3A_129 = tpu.memref_squeeze %dma_start3A_128 : memref<1x1x2x80xi32, #tpu.memory_space<hbm>> -> memref<2x80xi32, #tpu.memory_space<hbm>>
    tpu.enqueue_dma source(%dma_start3A_129 : memref<2x80xi32, #tpu.memory_space<hbm>>) target(%dma_start3A_125 : memref<2x80xi32, #tpu.memory_space<vmem>>) target_semaphore(%arg10 : memref<!tpu.dma_semaphore, #tpu.memory_space<semaphore_mem>>)
    %dma_start3A_130 = arith.constant 4 : i32
    %dma_start3A_131 = arith.constant 4 : i32
    %dma_start3A_132 = arith.constant 0 : i32
    %dma_start3A_133 = arith.constant 0 : i32
    %dma_start3A_134 = tpu.memref_slice %arg6[%dma_start3A_131, %dma_start3A_132, %dma_start3A_133] : memref<8x2x80xi32, #tpu.memory_space<vmem>> -> memref<1x2x80xi32, #tpu.memory_space<vmem>>
    %dma_start3A_135 = tpu.memref_squeeze %dma_start3A_134 : memref<1x2x80xi32, #tpu.memory_space<vmem>> -> memref<2x80xi32, #tpu.memory_space<vmem>>
    %dma_start3A_136 = arith.constant 0 : i32
    %dma_start3A_137 = arith.constant 0 : i32
    %dma_start3A_138 = tpu.memref_slice %arg3[%add3A, %dma_start3A_130, %dma_start3A_136, %dma_start3A_137] : memref<32x125x2x80xi32, #tpu.memory_space<hbm>> -> memref<1x1x2x80xi32, #tpu.memory_space<hbm>>
    %dma_start3A_139 = tpu.memref_squeeze %dma_start3A_138 : memref<1x1x2x80xi32, #tpu.memory_space<hbm>> -> memref<2x80xi32, #tpu.memory_space<hbm>>
    %dma_start3A_140 = arith.constant 0 : i32
    %dma_start3A_141 = arith.constant 0 : i32
    %dma_start3A_142 = tpu.memref_slice %arg6[%dma_start3A_131, %dma_start3A_140, %dma_start3A_141] : memref<8x2x80xi32, #tpu.memory_space<vmem>> -> memref<1x2x80xi32, #tpu.memory_space<vmem>>
    %dma_start3A_143 = tpu.memref_squeeze %dma_start3A_142 : memref<1x2x80xi32, #tpu.memory_space<vmem>> -> memref<2x80xi32, #tpu.memory_space<vmem>>
    %dma_start3A_144 = arith.constant 0 : i32
    %dma_start3A_145 = arith.constant 0 : i32
    %dma_start3A_146 = tpu.memref_slice %arg3[%add3A, %dma_start3A_130, %dma_start3A_144, %dma_start3A_145] : memref<32x125x2x80xi32, #tpu.memory_space<hbm>> -> memref<1x1x2x80xi32, #tpu.memory_space<hbm>>
    %dma_start3A_147 = tpu.memref_squeeze %dma_start3A_146 : memref<1x1x2x80xi32, #tpu.memory_space<hbm>> -> memref<2x80xi32, #tpu.memory_space<hbm>>
    tpu.enqueue_dma source(%dma_start3A_147 : memref<2x80xi32, #tpu.memory_space<hbm>>) target(%dma_start3A_143 : memref<2x80xi32, #tpu.memory_space<vmem>>) target_semaphore(%arg10 : memref<!tpu.dma_semaphore, #tpu.memory_space<semaphore_mem>>)
    %dma_start3A_148 = arith.constant 0 : i32
    %dma_start3A_149 = arith.constant 0 : i32
    %dma_start3A_150 = arith.constant 0 : i32
    %dma_start3A_151 = tpu.memref_slice %arg7[%dma_start3A_149, %dma_start3A_150] : memref<4x1280xf32, #tpu.memory_space<vmem>> -> memref<1x1280xf32, #tpu.memory_space<vmem>>
    %dma_start3A_152 = tpu.memref_squeeze %dma_start3A_151 : memref<1x1280xf32, #tpu.memory_space<vmem>> -> memref<1280xf32, #tpu.memory_space<vmem>>
    %dma_start3A_153 = arith.constant 0 : i32
    %dma_start3A_154 = tpu.memref_slice %arg4[%add3A, %dma_start3A_148, %dma_start3A_153] : memref<32x125x1280xf32, #tpu.memory_space<hbm>> -> memref<1x1x1280xf32, #tpu.memory_space<hbm>>
    %dma_start3A_155 = tpu.memref_squeeze %dma_start3A_154 : memref<1x1x1280xf32, #tpu.memory_space<hbm>> -> memref<1280xf32, #tpu.memory_space<hbm>>
    %dma_start3A_156 = arith.constant 0 : i32
    %dma_start3A_157 = tpu.memref_slice %arg7[%dma_start3A_149, %dma_start3A_156] : memref<4x1280xf32, #tpu.memory_space<vmem>> -> memref<1x1280xf32, #tpu.memory_space<vmem>>
    %dma_start3A_158 = tpu.memref_squeeze %dma_start3A_157 : memref<1x1280xf32, #tpu.memory_space<vmem>> -> memref<1280xf32, #tpu.memory_space<vmem>>
    %dma_start3A_159 = arith.constant 0 : i32
    %dma_start3A_160 = tpu.memref_slice %arg4[%add3A, %dma_start3A_148, %dma_start3A_159] : memref<32x125x1280xf32, #tpu.memory_space<hbm>> -> memref<1x1x1280xf32, #tpu.memory_space<hbm>>
    %dma_start3A_161 = tpu.memref_squeeze %dma_start3A_160 : memref<1x1x1280xf32, #tpu.memory_space<hbm>> -> memref<1280xf32, #tpu.memory_space<hbm>>
    tpu.enqueue_dma source(%dma_start3A_161 : memref<1280xf32, #tpu.memory_space<hbm>>) target(%dma_start3A_158 : memref<1280xf32, #tpu.memory_space<vmem>>) target_semaphore(%arg11 : memref<!tpu.dma_semaphore, #tpu.memory_space<semaphore_mem>>)
    %dma_start3A_162 = arith.constant 1 : i32
    %dma_start3A_163 = arith.constant 1 : i32
    %dma_start3A_164 = arith.constant 0 : i32
    %dma_start3A_165 = tpu.memref_slice %arg7[%dma_start3A_163, %dma_start3A_164] : memref<4x1280xf32, #tpu.memory_space<vmem>> -> memref<1x1280xf32, #tpu.memory_space<vmem>>
    %dma_start3A_166 = tpu.memref_squeeze %dma_start3A_165 : memref<1x1280xf32, #tpu.memory_space<vmem>> -> memref<1280xf32, #tpu.memory_space<vmem>>
    %dma_start3A_167 = arith.constant 0 : i32
    %dma_start3A_168 = tpu.memref_slice %arg4[%add3A, %dma_start3A_162, %dma_start3A_167] : memref<32x125x1280xf32, #tpu.memory_space<hbm>> -> memref<1x1x1280xf32, #tpu.memory_space<hbm>>
    %dma_start3A_169 = tpu.memref_squeeze %dma_start3A_168 : memref<1x1x1280xf32, #tpu.memory_space<hbm>> -> memref<1280xf32, #tpu.memory_space<hbm>>
    %dma_start3A_170 = arith.constant 0 : i32
    %dma_start3A_171 = tpu.memref_slice %arg7[%dma_start3A_163, %dma_start3A_170] : memref<4x1280xf32, #tpu.memory_space<vmem>> -> memref<1x1280xf32, #tpu.memory_space<vmem>>
    %dma_start3A_172 = tpu.memref_squeeze %dma_start3A_171 : memref<1x1280xf32, #tpu.memory_space<vmem>> -> memref<1280xf32, #tpu.memory_space<vmem>>
    %dma_start3A_173 = arith.constant 0 : i32
    %dma_start3A_174 = tpu.memref_slice %arg4[%add3A, %dma_start3A_162, %dma_start3A_173] : memref<32x125x1280xf32, #tpu.memory_space<hbm>> -> memref<1x1x1280xf32, #tpu.memory_space<hbm>>
    %dma_start3A_175 = tpu.memref_squeeze %dma_start3A_174 : memref<1x1x1280xf32, #tpu.memory_space<hbm>> -> memref<1280xf32, #tpu.memory_space<hbm>>
    tpu.enqueue_dma source(%dma_start3A_175 : memref<1280xf32, #tpu.memory_space<hbm>>) target(%dma_start3A_172 : memref<1280xf32, #tpu.memory_space<vmem>>) target_semaphore(%arg11 : memref<!tpu.dma_semaphore, #tpu.memory_space<semaphore_mem>>)
    %dma_wait3A = arith.constant 0 : i32
    %dma_wait3A_176 = arith.constant 0 : i32
    %dma_wait3A_177 = arith.constant 0 : i32
    %dma_wait3A_178 = arith.constant 0 : i32
    %dma_wait3A_179 = tpu.memref_slice %arg6[%dma_wait3A_176, %dma_wait3A_177, %dma_wait3A_178] : memref<8x2x80xi32, #tpu.memory_space<vmem>> -> memref<1x2x80xi32, #tpu.memory_space<vmem>>
    %dma_wait3A_180 = tpu.memref_squeeze %dma_wait3A_179 : memref<1x2x80xi32, #tpu.memory_space<vmem>> -> memref<2x80xi32, #tpu.memory_space<vmem>>
    %dma_wait3A_181 = arith.constant 0 : i32
    %dma_wait3A_182 = arith.constant 0 : i32
    %dma_wait3A_183 = tpu.memref_slice %arg3[%add3A, %dma_wait3A, %dma_wait3A_181, %dma_wait3A_182] : memref<32x125x2x80xi32, #tpu.memory_space<hbm>> -> memref<1x1x2x80xi32, #tpu.memory_space<hbm>>
    %dma_wait3A_184 = tpu.memref_squeeze %dma_wait3A_183 : memref<1x1x2x80xi32, #tpu.memory_space<hbm>> -> memref<2x80xi32, #tpu.memory_space<hbm>>
    %dma_wait3A_185 = arith.constant 0 : i32
    %dma_wait3A_186 = arith.constant 0 : i32
    %dma_wait3A_187 = tpu.memref_slice %arg6[%dma_wait3A_176, %dma_wait3A_185, %dma_wait3A_186] : memref<8x2x80xi32, #tpu.memory_space<vmem>> -> memref<1x2x80xi32, #tpu.memory_space<vmem>>
    %dma_wait3A_188 = tpu.memref_squeeze %dma_wait3A_187 : memref<1x2x80xi32, #tpu.memory_space<vmem>> -> memref<2x80xi32, #tpu.memory_space<vmem>>
    %dma_wait3A_189 = arith.constant 0 : i32
    %dma_wait3A_190 = arith.constant 0 : i32
    %dma_wait3A_191 = tpu.memref_slice %arg3[%add3A, %dma_wait3A, %dma_wait3A_189, %dma_wait3A_190] : memref<32x125x2x80xi32, #tpu.memory_space<hbm>> -> memref<1x1x2x80xi32, #tpu.memory_space<hbm>>
    %dma_wait3A_192 = tpu.memref_squeeze %dma_wait3A_191 : memref<1x1x2x80xi32, #tpu.memory_space<hbm>> -> memref<2x80xi32, #tpu.memory_space<hbm>>
    tpu.wait_dma2 semaphore(%arg10 : memref<!tpu.dma_semaphore, #tpu.memory_space<semaphore_mem>>) src(%dma_wait3A_192 : memref<2x80xi32, #tpu.memory_space<hbm>>) dst(%dma_wait3A_188 : memref<2x80xi32, #tpu.memory_space<vmem>>)
    %dma_start3A_193 = arith.constant 0 : i32
    %dma_start3A_194 = arith.constant 0 : i32
    %dma_start3A_195 = arith.constant 0 : i32
    %dma_start3A_196 = arith.constant 0 : i32
    %dma_start3A_197 = arith.constant 0 : i32
    %dma_start3A_198 = tpu.memref_slice %arg8[%dma_start3A_195, %dma_start3A_196, %dma_start3A_197] : memref<4x80x128xf32, #tpu.memory_space<vmem>> -> memref<1x80x128xf32, #tpu.memory_space<vmem>>
    %dma_start3A_199 = tpu.memref_squeeze %dma_start3A_198 : memref<1x80x128xf32, #tpu.memory_space<vmem>> -> memref<80x128xf32, #tpu.memory_space<vmem>>
    %dma_start3A_200 = arith.constant 0 : i32
    %dma_start3A_201 = tpu.memref_slice %arg6[%dma_start3A_193, %dma_start3A_194, %dma_start3A_200] : memref<8x2x80xi32, #tpu.memory_space<vmem>> -> memref<1x1x80xi32, #tpu.memory_space<vmem>>
    %dma_start3A_202 = tpu.memref_squeeze %dma_start3A_201 : memref<1x1x80xi32, #tpu.memory_space<vmem>> -> memref<80xi32, #tpu.memory_space<vmem>>
    %dma_start3A_203 = arith.constant 0 : i32
    %dma_start3A_204 = arith.constant 0 : i32
    %dma_start3A_205 = tpu.memref_slice %arg2[%dma_start3A_203, %dma_start3A_204] : memref<10000x128xf32, #tpu.memory_space<hbm>> -> memref<10000x128xf32, #tpu.memory_space<hbm>>
    tpu.enqueue_indirect_dma source(%dma_start3A_205 : memref<10000x128xf32, #tpu.memory_space<hbm>>) target(%dma_start3A_199 : memref<80x128xf32, #tpu.memory_space<vmem>>) offsets(%dma_start3A_202 : memref<80xi32, #tpu.memory_space<vmem>>) semaphore(%arg12 : memref<!tpu.dma_semaphore, #tpu.memory_space<semaphore_mem>>)
    %dma_wait3A_206 = arith.constant 1 : i32
    %dma_wait3A_207 = arith.constant 1 : i32
    %dma_wait3A_208 = arith.constant 0 : i32
    %dma_wait3A_209 = arith.constant 0 : i32
    %dma_wait3A_210 = tpu.memref_slice %arg6[%dma_wait3A_207, %dma_wait3A_208, %dma_wait3A_209] : memref<8x2x80xi32, #tpu.memory_space<vmem>> -> memref<1x2x80xi32, #tpu.memory_space<vmem>>
    %dma_wait3A_211 = tpu.memref_squeeze %dma_wait3A_210 : memref<1x2x80xi32, #tpu.memory_space<vmem>> -> memref<2x80xi32, #tpu.memory_space<vmem>>
    %dma_wait3A_212 = arith.constant 0 : i32
    %dma_wait3A_213 = arith.constant 0 : i32
    %dma_wait3A_214 = tpu.memref_slice %arg3[%add3A, %dma_wait3A_206, %dma_wait3A_212, %dma_wait3A_213] : memref<32x125x2x80xi32, #tpu.memory_space<hbm>> -> memref<1x1x2x80xi32, #tpu.memory_space<hbm>>
    %dma_wait3A_215 = tpu.memref_squeeze %dma_wait3A_214 : memref<1x1x2x80xi32, #tpu.memory_space<hbm>> -> memref<2x80xi32, #tpu.memory_space<hbm>>
    %dma_wait3A_216 = arith.constant 0 : i32
    %dma_wait3A_217 = arith.constant 0 : i32
    %dma_wait3A_218 = tpu.memref_slice %arg6[%dma_wait3A_207, %dma_wait3A_216, %dma_wait3A_217] : memref<8x2x80xi32, #tpu.memory_space<vmem>> -> memref<1x2x80xi32, #tpu.memory_space<vmem>>
    %dma_wait3A_219 = tpu.memref_squeeze %dma_wait3A_218 : memref<1x2x80xi32, #tpu.memory_space<vmem>> -> memref<2x80xi32, #tpu.memory_space<vmem>>
    %dma_wait3A_220 = arith.constant 0 : i32
    %dma_wait3A_221 = arith.constant 0 : i32
    %dma_wait3A_222 = tpu.memref_slice %arg3[%add3A, %dma_wait3A_206, %dma_wait3A_220, %dma_wait3A_221] : memref<32x125x2x80xi32, #tpu.memory_space<hbm>> -> memref<1x1x2x80xi32, #tpu.memory_space<hbm>>
    %dma_wait3A_223 = tpu.memref_squeeze %dma_wait3A_222 : memref<1x1x2x80xi32, #tpu.memory_space<hbm>> -> memref<2x80xi32, #tpu.memory_space<hbm>>
    tpu.wait_dma2 semaphore(%arg10 : memref<!tpu.dma_semaphore, #tpu.memory_space<semaphore_mem>>) src(%dma_wait3A_223 : memref<2x80xi32, #tpu.memory_space<hbm>>) dst(%dma_wait3A_219 : memref<2x80xi32, #tpu.memory_space<vmem>>)
    %dma_start3A_224 = arith.constant 1 : i32
    %dma_start3A_225 = arith.constant 0 : i32
    %dma_start3A_226 = arith.constant 1 : i32
    %dma_start3A_227 = arith.constant 0 : i32
    %dma_start3A_228 = arith.constant 0 : i32
    %dma_start3A_229 = tpu.memref_slice %arg8[%dma_start3A_226, %dma_start3A_227, %dma_start3A_228] : memref<4x80x128xf32, #tpu.memory_space<vmem>> -> memref<1x80x128xf32, #tpu.memory_space<vmem>>
    %dma_start3A_230 = tpu.memref_squeeze %dma_start3A_229 : memref<1x80x128xf32, #tpu.memory_space<vmem>> -> memref<80x128xf32, #tpu.memory_space<vmem>>
    %dma_start3A_231 = arith.constant 0 : i32
    %dma_start3A_232 = tpu.memref_slice %arg6[%dma_start3A_224, %dma_start3A_225, %dma_start3A_231] : memref<8x2x80xi32, #tpu.memory_space<vmem>> -> memref<1x1x80xi32, #tpu.memory_space<vmem>>
    %dma_start3A_233 = tpu.memref_squeeze %dma_start3A_232 : memref<1x1x80xi32, #tpu.memory_space<vmem>> -> memref<80xi32, #tpu.memory_space<vmem>>
    %dma_start3A_234 = arith.constant 0 : i32
    %dma_start3A_235 = arith.constant 0 : i32
    %dma_start3A_236 = tpu.memref_slice %arg2[%dma_start3A_234, %dma_start3A_235] : memref<10000x128xf32, #tpu.memory_space<hbm>> -> memref<10000x128xf32, #tpu.memory_space<hbm>>
    tpu.enqueue_indirect_dma source(%dma_start3A_236 : memref<10000x128xf32, #tpu.memory_space<hbm>>) target(%dma_start3A_230 : memref<80x128xf32, #tpu.memory_space<vmem>>) offsets(%dma_start3A_233 : memref<80xi32, #tpu.memory_space<vmem>>) semaphore(%arg12 : memref<!tpu.dma_semaphore, #tpu.memory_space<semaphore_mem>>)
    %dma_wait3A_237 = arith.constant 2 : i32
    %dma_wait3A_238 = arith.constant 2 : i32
    %dma_wait3A_239 = arith.constant 0 : i32
    %dma_wait3A_240 = arith.constant 0 : i32
    %dma_wait3A_241 = tpu.memref_slice %arg6[%dma_wait3A_238, %dma_wait3A_239, %dma_wait3A_240] : memref<8x2x80xi32, #tpu.memory_space<vmem>> -> memref<1x2x80xi32, #tpu.memory_space<vmem>>
    %dma_wait3A_242 = tpu.memref_squeeze %dma_wait3A_241 : memref<1x2x80xi32, #tpu.memory_space<vmem>> -> memref<2x80xi32, #tpu.memory_space<vmem>>
    %dma_wait3A_243 = arith.constant 0 : i32
    %dma_wait3A_244 = arith.constant 0 : i32
    %dma_wait3A_245 = tpu.memref_slice %arg3[%add3A, %dma_wait3A_237, %dma_wait3A_243, %dma_wait3A_244] : memref<32x125x2x80xi32, #tpu.memory_space<hbm>> -> memref<1x1x2x80xi32, #tpu.memory_space<hbm>>
    %dma_wait3A_246 = tpu.memref_squeeze %dma_wait3A_245 : memref<1x1x2x80xi32, #tpu.memory_space<hbm>> -> memref<2x80xi32, #tpu.memory_space<hbm>>
    %dma_wait3A_247 = arith.constant 0 : i32
    %dma_wait3A_248 = arith.constant 0 : i32
    %dma_wait3A_249 = tpu.memref_slice %arg6[%dma_wait3A_238, %dma_wait3A_247, %dma_wait3A_248] : memref<8x2x80xi32, #tpu.memory_space<vmem>> -> memref<1x2x80xi32, #tpu.memory_space<vmem>>
    %dma_wait3A_250 = tpu.memref_squeeze %dma_wait3A_249 : memref<1x2x80xi32, #tpu.memory_space<vmem>> -> memref<2x80xi32, #tpu.memory_space<vmem>>
    %dma_wait3A_251 = arith.constant 0 : i32
    %dma_wait3A_252 = arith.constant 0 : i32
    %dma_wait3A_253 = tpu.memref_slice %arg3[%add3A, %dma_wait3A_237, %dma_wait3A_251, %dma_wait3A_252] : memref<32x125x2x80xi32, #tpu.memory_space<hbm>> -> memref<1x1x2x80xi32, #tpu.memory_space<hbm>>
    %dma_wait3A_254 = tpu.memref_squeeze %dma_wait3A_253 : memref<1x1x2x80xi32, #tpu.memory_space<hbm>> -> memref<2x80xi32, #tpu.memory_space<hbm>>
    tpu.wait_dma2 semaphore(%arg10 : memref<!tpu.dma_semaphore, #tpu.memory_space<semaphore_mem>>) src(%dma_wait3A_254 : memref<2x80xi32, #tpu.memory_space<hbm>>) dst(%dma_wait3A_250 : memref<2x80xi32, #tpu.memory_space<vmem>>)
    %dma_start3A_255 = arith.constant 2 : i32
    %dma_start3A_256 = arith.constant 0 : i32
    %dma_start3A_257 = arith.constant 2 : i32
    %dma_start3A_258 = arith.constant 0 : i32
    %dma_start3A_259 = arith.constant 0 : i32
    %dma_start3A_260 = tpu.memref_slice %arg8[%dma_start3A_257, %dma_start3A_258, %dma_start3A_259] : memref<4x80x128xf32, #tpu.memory_space<vmem>> -> memref<1x80x128xf32, #tpu.memory_space<vmem>>
    %dma_start3A_261 = tpu.memref_squeeze %dma_start3A_260 : memref<1x80x128xf32, #tpu.memory_space<vmem>> -> memref<80x128xf32, #tpu.memory_space<vmem>>
    %dma_start3A_262 = arith.constant 0 : i32
    %dma_start3A_263 = tpu.memref_slice %arg6[%dma_start3A_255, %dma_start3A_256, %dma_start3A_262] : memref<8x2x80xi32, #tpu.memory_space<vmem>> -> memref<1x1x80xi32, #tpu.memory_space<vmem>>
    %dma_start3A_264 = tpu.memref_squeeze %dma_start3A_263 : memref<1x1x80xi32, #tpu.memory_space<vmem>> -> memref<80xi32, #tpu.memory_space<vmem>>
    %dma_start3A_265 = arith.constant 0 : i32
    %dma_start3A_266 = arith.constant 0 : i32
    %dma_start3A_267 = tpu.memref_slice %arg2[%dma_start3A_265, %dma_start3A_266] : memref<10000x128xf32, #tpu.memory_space<hbm>> -> memref<10000x128xf32, #tpu.memory_space<hbm>>
    tpu.enqueue_indirect_dma source(%dma_start3A_267 : memref<10000x128xf32, #tpu.memory_space<hbm>>) target(%dma_start3A_261 : memref<80x128xf32, #tpu.memory_space<vmem>>) offsets(%dma_start3A_264 : memref<80xi32, #tpu.memory_space<vmem>>) semaphore(%arg12 : memref<!tpu.dma_semaphore, #tpu.memory_space<semaphore_mem>>)
    %scan3A_268 = arith.constant 0 : i32
    %scan3A_269 = arith.constant 0 : i32
    %scan3A_270 = arith.constant 125 : i32
    %scan3A_271 = arith.addi %scan3A_269, %scan3A_270 : i32
    %scan3A_272 = arith.constant 1 : i32
    scf.for %scan3A_302 = %scan3A_269 to %scan3A_271 step %scan3A_272  : i32 {
      %rem3A = arith.constant 4 : i32
      %rem3A_303 = arith.remsi %scan3A_302, %rem3A : i32
      %rem3A_304 = arith.constant 8 : i32
      %rem3A_305 = arith.remsi %scan3A_302, %rem3A_304 : i32
      %rem3A_306 = arith.constant 4 : i32
      %rem3A_307 = arith.remsi %scan3A_302, %rem3A_306 : i32
      %ge3A = arith.constant 1 : i32
      %ge3A_308 = arith.cmpi sge, %scan3A_302, %ge3A : i32
      %convert_element_type3A_309 = arith.extui %ge3A_308 : i1 to i32
      %cond3A_310 = arith.constant 0 : i32
      %cond3A_311 = arith.cmpi ne, %convert_element_type3A_309, %cond3A_310 : i32
      scf.if %cond3A_311 {
        %sub3A = arith.constant 1 : i32
        %sub3A_369 = arith.subi %scan3A_302, %sub3A : i32
        %rem3A_370 = arith.constant 4 : i32
        %rem3A_371 = arith.remsi %sub3A_369, %rem3A_370 : i32
        %sub3A_372 = arith.constant 1 : i32
        %sub3A_373 = arith.subi %scan3A_302, %sub3A_372 : i32
        %rem3A_374 = arith.constant 8 : i32
        %rem3A_375 = arith.remsi %sub3A_373, %rem3A_374 : i32
        %dma_wait3A_376 = arith.constant 1 : i32
        %dma_wait3A_377 = arith.constant 0 : i32
        %dma_wait3A_378 = arith.constant 0 : i32
        %dma_wait3A_379 = tpu.memref_slice %arg8[%rem3A_371, %dma_wait3A_377, %dma_wait3A_378] : memref<4x80x128xf32, #tpu.memory_space<vmem>> -> memref<1x80x128xf32, #tpu.memory_space<vmem>>
        %dma_wait3A_380 = tpu.memref_squeeze %dma_wait3A_379 : memref<1x80x128xf32, #tpu.memory_space<vmem>> -> memref<80x128xf32, #tpu.memory_space<vmem>>
        %dma_wait3A_381 = arith.constant 0 : i32
        %dma_wait3A_382 = tpu.memref_slice %arg6[%rem3A_375, %dma_wait3A_376, %dma_wait3A_381] : memref<8x2x80xi32, #tpu.memory_space<vmem>> -> memref<1x1x80xi32, #tpu.memory_space<vmem>>
        %dma_wait3A_383 = tpu.memref_squeeze %dma_wait3A_382 : memref<1x1x80xi32, #tpu.memory_space<vmem>> -> memref<80xi32, #tpu.memory_space<vmem>>
        %dma_wait3A_384 = arith.constant 0 : i32
        %dma_wait3A_385 = arith.constant 0 : i32
        %dma_wait3A_386 = tpu.memref_slice %arg9[%dma_wait3A_384, %dma_wait3A_385] : memref<10000x128xf32, #tpu.memory_space<vmem_shared>> -> memref<10000x128xf32, #tpu.memory_space<vmem_shared>>
        tpu.wait_indirect_dma semaphore(%arg13 : memref<!tpu.dma_semaphore, #tpu.memory_space<semaphore_mem>>) src(%dma_wait3A_380 : memref<80x128xf32, #tpu.memory_space<vmem>>) dst(%dma_wait3A_386 : memref<10000x128xf32, #tpu.memory_space<vmem_shared>>)
      } else {
      }
      %add3A_312 = arith.constant 5 : i32
      %add3A_313 = arith.addi %scan3A_302, %add3A_312 : i32
      %lt3A_314 = arith.constant 125 : i32
      %lt3A_315 = arith.cmpi slt, %add3A_313, %lt3A_314 : i32
      %convert_element_type3A_316 = arith.extui %lt3A_315 : i1 to i32
      %cond3A_317 = arith.constant 0 : i32
      %cond3A_318 = arith.cmpi ne, %convert_element_type3A_316, %cond3A_317 : i32
      scf.if %cond3A_318 {
        %add3A_369 = arith.constant 5 : i32
        %add3A_370 = arith.addi %scan3A_302, %add3A_369 : i32
        %add3A_371 = arith.constant 5 : i32
        %add3A_372 = arith.addi %scan3A_302, %add3A_371 : i32
        %rem3A_373 = arith.constant 8 : i32
        %rem3A_374 = arith.remsi %add3A_372, %rem3A_373 : i32
        %dma_start3A_375 = arith.constant 0 : i32
        %dma_start3A_376 = arith.constant 0 : i32
        %dma_start3A_377 = tpu.memref_slice %arg6[%rem3A_374, %dma_start3A_375, %dma_start3A_376] : memref<8x2x80xi32, #tpu.memory_space<vmem>> -> memref<1x2x80xi32, #tpu.memory_space<vmem>>
        %dma_start3A_378 = tpu.memref_squeeze %dma_start3A_377 : memref<1x2x80xi32, #tpu.memory_space<vmem>> -> memref<2x80xi32, #tpu.memory_space<vmem>>
        %dma_start3A_379 = arith.constant 0 : i32
        %dma_start3A_380 = arith.constant 0 : i32
        %dma_start3A_381 = tpu.memref_slice %arg3[%add3A, %add3A_370, %dma_start3A_379, %dma_start3A_380] : memref<32x125x2x80xi32, #tpu.memory_space<hbm>> -> memref<1x1x2x80xi32, #tpu.memory_space<hbm>>
        %dma_start3A_382 = tpu.memref_squeeze %dma_start3A_381 : memref<1x1x2x80xi32, #tpu.memory_space<hbm>> -> memref<2x80xi32, #tpu.memory_space<hbm>>
        %dma_start3A_383 = arith.constant 0 : i32
        %dma_start3A_384 = arith.constant 0 : i32
        %dma_start3A_385 = tpu.memref_slice %arg6[%rem3A_374, %dma_start3A_383, %dma_start3A_384] : memref<8x2x80xi32, #tpu.memory_space<vmem>> -> memref<1x2x80xi32, #tpu.memory_space<vmem>>
        %dma_start3A_386 = tpu.memref_squeeze %dma_start3A_385 : memref<1x2x80xi32, #tpu.memory_space<vmem>> -> memref<2x80xi32, #tpu.memory_space<vmem>>
        %dma_start3A_387 = arith.constant 0 : i32
        %dma_start3A_388 = arith.constant 0 : i32
        %dma_start3A_389 = tpu.memref_slice %arg3[%add3A, %add3A_370, %dma_start3A_387, %dma_start3A_388] : memref<32x125x2x80xi32, #tpu.memory_space<hbm>> -> memref<1x1x2x80xi32, #tpu.memory_space<hbm>>
        %dma_start3A_390 = tpu.memref_squeeze %dma_start3A_389 : memref<1x1x2x80xi32, #tpu.memory_space<hbm>> -> memref<2x80xi32, #tpu.memory_space<hbm>>
        tpu.enqueue_dma source(%dma_start3A_390 : memref<2x80xi32, #tpu.memory_space<hbm>>) target(%dma_start3A_386 : memref<2x80xi32, #tpu.memory_space<vmem>>) target_semaphore(%arg10 : memref<!tpu.dma_semaphore, #tpu.memory_space<semaphore_mem>>)
      } else {
      }
      %add3A_319 = arith.constant 2 : i32
      %add3A_320 = arith.addi %scan3A_302, %add3A_319 : i32
      %lt3A_321 = arith.constant 125 : i32
      %lt3A_322 = arith.cmpi slt, %add3A_320, %lt3A_321 : i32
      %convert_element_type3A_323 = arith.extui %lt3A_322 : i1 to i32
      %cond3A_324 = arith.constant 0 : i32
      %cond3A_325 = arith.cmpi ne, %convert_element_type3A_323, %cond3A_324 : i32
      scf.if %cond3A_325 {
        %add3A_369 = arith.constant 2 : i32
        %add3A_370 = arith.addi %scan3A_302, %add3A_369 : i32
        %add3A_371 = arith.constant 2 : i32
        %add3A_372 = arith.addi %scan3A_302, %add3A_371 : i32
        %rem3A_373 = arith.constant 4 : i32
        %rem3A_374 = arith.remsi %add3A_372, %rem3A_373 : i32
        %dma_start3A_375 = arith.constant 0 : i32
        %dma_start3A_376 = tpu.memref_slice %arg7[%rem3A_374, %dma_start3A_375] : memref<4x1280xf32, #tpu.memory_space<vmem>> -> memref<1x1280xf32, #tpu.memory_space<vmem>>
        %dma_start3A_377 = tpu.memref_squeeze %dma_start3A_376 : memref<1x1280xf32, #tpu.memory_space<vmem>> -> memref<1280xf32, #tpu.memory_space<vmem>>
        %dma_start3A_378 = arith.constant 0 : i32
        %dma_start3A_379 = tpu.memref_slice %arg4[%add3A, %add3A_370, %dma_start3A_378] : memref<32x125x1280xf32, #tpu.memory_space<hbm>> -> memref<1x1x1280xf32, #tpu.memory_space<hbm>>
        %dma_start3A_380 = tpu.memref_squeeze %dma_start3A_379 : memref<1x1x1280xf32, #tpu.memory_space<hbm>> -> memref<1280xf32, #tpu.memory_space<hbm>>
        %dma_start3A_381 = arith.constant 0 : i32
        %dma_start3A_382 = tpu.memref_slice %arg7[%rem3A_374, %dma_start3A_381] : memref<4x1280xf32, #tpu.memory_space<vmem>> -> memref<1x1280xf32, #tpu.memory_space<vmem>>
        %dma_start3A_383 = tpu.memref_squeeze %dma_start3A_382 : memref<1x1280xf32, #tpu.memory_space<vmem>> -> memref<1280xf32, #tpu.memory_space<vmem>>
        %dma_start3A_384 = arith.constant 0 : i32
        %dma_start3A_385 = tpu.memref_slice %arg4[%add3A, %add3A_370, %dma_start3A_384] : memref<32x125x1280xf32, #tpu.memory_space<hbm>> -> memref<1x1x1280xf32, #tpu.memory_space<hbm>>
        %dma_start3A_386 = tpu.memref_squeeze %dma_start3A_385 : memref<1x1x1280xf32, #tpu.memory_space<hbm>> -> memref<1280xf32, #tpu.memory_space<hbm>>
        tpu.enqueue_dma source(%dma_start3A_386 : memref<1280xf32, #tpu.memory_space<hbm>>) target(%dma_start3A_383 : memref<1280xf32, #tpu.memory_space<vmem>>) target_semaphore(%arg11 : memref<!tpu.dma_semaphore, #tpu.memory_space<semaphore_mem>>)
      } else {
      }
      %add3A_326 = arith.constant 3 : i32
      %add3A_327 = arith.addi %scan3A_302, %add3A_326 : i32
      %lt3A_328 = arith.constant 125 : i32
      %lt3A_329 = arith.cmpi slt, %add3A_327, %lt3A_328 : i32
      %convert_element_type3A_330 = arith.extui %lt3A_329 : i1 to i32
      %cond3A_331 = arith.constant 0 : i32
      %cond3A_332 = arith.cmpi ne, %convert_element_type3A_330, %cond3A_331 : i32
      scf.if %cond3A_332 {
        %add3A_369 = arith.constant 3 : i32
        %add3A_370 = arith.addi %scan3A_302, %add3A_369 : i32
        %rem3A_371 = arith.constant 8 : i32
        %rem3A_372 = arith.remsi %add3A_370, %rem3A_371 : i32
        %add3A_373 = arith.constant 3 : i32
        %add3A_374 = arith.addi %scan3A_302, %add3A_373 : i32
        %dma_wait3A_375 = arith.constant 0 : i32
        %dma_wait3A_376 = arith.constant 0 : i32
        %dma_wait3A_377 = tpu.memref_slice %arg6[%rem3A_372, %dma_wait3A_375, %dma_wait3A_376] : memref<8x2x80xi32, #tpu.memory_space<vmem>> -> memref<1x2x80xi32, #tpu.memory_space<vmem>>
        %dma_wait3A_378 = tpu.memref_squeeze %dma_wait3A_377 : memref<1x2x80xi32, #tpu.memory_space<vmem>> -> memref<2x80xi32, #tpu.memory_space<vmem>>
        %dma_wait3A_379 = arith.constant 0 : i32
        %dma_wait3A_380 = arith.constant 0 : i32
        %dma_wait3A_381 = tpu.memref_slice %arg3[%add3A, %add3A_374, %dma_wait3A_379, %dma_wait3A_380] : memref<32x125x2x80xi32, #tpu.memory_space<hbm>> -> memref<1x1x2x80xi32, #tpu.memory_space<hbm>>
        %dma_wait3A_382 = tpu.memref_squeeze %dma_wait3A_381 : memref<1x1x2x80xi32, #tpu.memory_space<hbm>> -> memref<2x80xi32, #tpu.memory_space<hbm>>
        %dma_wait3A_383 = arith.constant 0 : i32
        %dma_wait3A_384 = arith.constant 0 : i32
        %dma_wait3A_385 = tpu.memref_slice %arg6[%rem3A_372, %dma_wait3A_383, %dma_wait3A_384] : memref<8x2x80xi32, #tpu.memory_space<vmem>> -> memref<1x2x80xi32, #tpu.memory_space<vmem>>
        %dma_wait3A_386 = tpu.memref_squeeze %dma_wait3A_385 : memref<1x2x80xi32, #tpu.memory_space<vmem>> -> memref<2x80xi32, #tpu.memory_space<vmem>>
        %dma_wait3A_387 = arith.constant 0 : i32
        %dma_wait3A_388 = arith.constant 0 : i32
        %dma_wait3A_389 = tpu.memref_slice %arg3[%add3A, %add3A_374, %dma_wait3A_387, %dma_wait3A_388] : memref<32x125x2x80xi32, #tpu.memory_space<hbm>> -> memref<1x1x2x80xi32, #tpu.memory_space<hbm>>
        %dma_wait3A_390 = tpu.memref_squeeze %dma_wait3A_389 : memref<1x1x2x80xi32, #tpu.memory_space<hbm>> -> memref<2x80xi32, #tpu.memory_space<hbm>>
        tpu.wait_dma2 semaphore(%arg10 : memref<!tpu.dma_semaphore, #tpu.memory_space<semaphore_mem>>) src(%dma_wait3A_390 : memref<2x80xi32, #tpu.memory_space<hbm>>) dst(%dma_wait3A_386 : memref<2x80xi32, #tpu.memory_space<vmem>>)
        %add3A_391 = arith.constant 3 : i32
        %add3A_392 = arith.addi %scan3A_302, %add3A_391 : i32
        %rem3A_393 = arith.constant 4 : i32
        %rem3A_394 = arith.remsi %add3A_392, %rem3A_393 : i32
        %dma_start3A_395 = arith.constant 0 : i32
        %dma_start3A_396 = arith.constant 0 : i32
        %dma_start3A_397 = arith.constant 0 : i32
        %dma_start3A_398 = tpu.memref_slice %arg8[%rem3A_394, %dma_start3A_396, %dma_start3A_397] : memref<4x80x128xf32, #tpu.memory_space<vmem>> -> memref<1x80x128xf32, #tpu.memory_space<vmem>>
        %dma_start3A_399 = tpu.memref_squeeze %dma_start3A_398 : memref<1x80x128xf32, #tpu.memory_space<vmem>> -> memref<80x128xf32, #tpu.memory_space<vmem>>
        %dma_start3A_400 = arith.constant 0 : i32
        %dma_start3A_401 = tpu.memref_slice %arg6[%rem3A_372, %dma_start3A_395, %dma_start3A_400] : memref<8x2x80xi32, #tpu.memory_space<vmem>> -> memref<1x1x80xi32, #tpu.memory_space<vmem>>
        %dma_start3A_402 = tpu.memref_squeeze %dma_start3A_401 : memref<1x1x80xi32, #tpu.memory_space<vmem>> -> memref<80xi32, #tpu.memory_space<vmem>>
        %dma_start3A_403 = arith.constant 0 : i32
        %dma_start3A_404 = arith.constant 0 : i32
        %dma_start3A_405 = tpu.memref_slice %arg2[%dma_start3A_403, %dma_start3A_404] : memref<10000x128xf32, #tpu.memory_space<hbm>> -> memref<10000x128xf32, #tpu.memory_space<hbm>>
        tpu.enqueue_indirect_dma source(%dma_start3A_405 : memref<10000x128xf32, #tpu.memory_space<hbm>>) target(%dma_start3A_399 : memref<80x128xf32, #tpu.memory_space<vmem>>) offsets(%dma_start3A_402 : memref<80xi32, #tpu.memory_space<vmem>>) semaphore(%arg12 : memref<!tpu.dma_semaphore, #tpu.memory_space<semaphore_mem>>)
      } else {
      }
      %dma_wait3A_333 = arith.constant 0 : i32
      %dma_wait3A_334 = arith.constant 0 : i32
      %dma_wait3A_335 = arith.constant 0 : i32
      %dma_wait3A_336 = tpu.memref_slice %arg8[%rem3A_303, %dma_wait3A_334, %dma_wait3A_335] : memref<4x80x128xf32, #tpu.memory_space<vmem>> -> memref<1x80x128xf32, #tpu.memory_space<vmem>>
      %dma_wait3A_337 = tpu.memref_squeeze %dma_wait3A_336 : memref<1x80x128xf32, #tpu.memory_space<vmem>> -> memref<80x128xf32, #tpu.memory_space<vmem>>
      %dma_wait3A_338 = arith.constant 0 : i32
      %dma_wait3A_339 = tpu.memref_slice %arg6[%rem3A_305, %dma_wait3A_333, %dma_wait3A_338] : memref<8x2x80xi32, #tpu.memory_space<vmem>> -> memref<1x1x80xi32, #tpu.memory_space<vmem>>
      %dma_wait3A_340 = tpu.memref_squeeze %dma_wait3A_339 : memref<1x1x80xi32, #tpu.memory_space<vmem>> -> memref<80xi32, #tpu.memory_space<vmem>>
      %dma_wait3A_341 = arith.constant 0 : i32
      %dma_wait3A_342 = arith.constant 0 : i32
      %dma_wait3A_343 = tpu.memref_slice %arg2[%dma_wait3A_341, %dma_wait3A_342] : memref<10000x128xf32, #tpu.memory_space<hbm>> -> memref<10000x128xf32, #tpu.memory_space<hbm>>
      tpu.wait_indirect_dma semaphore(%arg12 : memref<!tpu.dma_semaphore, #tpu.memory_space<semaphore_mem>>) src(%dma_wait3A_343 : memref<10000x128xf32, #tpu.memory_space<hbm>>) dst(%dma_wait3A_337 : memref<80x128xf32, #tpu.memory_space<vmem>>)
      %dma_wait3A_344 = arith.constant 0 : i32
      %dma_wait3A_345 = tpu.memref_slice %arg7[%rem3A_307, %dma_wait3A_344] : memref<4x1280xf32, #tpu.memory_space<vmem>> -> memref<1x1280xf32, #tpu.memory_space<vmem>>
      %dma_wait3A_346 = tpu.memref_squeeze %dma_wait3A_345 : memref<1x1280xf32, #tpu.memory_space<vmem>> -> memref<1280xf32, #tpu.memory_space<vmem>>
      %dma_wait3A_347 = arith.constant 0 : i32
      %dma_wait3A_348 = tpu.memref_slice %arg4[%add3A, %scan3A_302, %dma_wait3A_347] : memref<32x125x1280xf32, #tpu.memory_space<hbm>> -> memref<1x1x1280xf32, #tpu.memory_space<hbm>>
      %dma_wait3A_349 = tpu.memref_squeeze %dma_wait3A_348 : memref<1x1x1280xf32, #tpu.memory_space<hbm>> -> memref<1280xf32, #tpu.memory_space<hbm>>
      %dma_wait3A_350 = arith.constant 0 : i32
      %dma_wait3A_351 = tpu.memref_slice %arg7[%rem3A_307, %dma_wait3A_350] : memref<4x1280xf32, #tpu.memory_space<vmem>> -> memref<1x1280xf32, #tpu.memory_space<vmem>>
      %dma_wait3A_352 = tpu.memref_squeeze %dma_wait3A_351 : memref<1x1280xf32, #tpu.memory_space<vmem>> -> memref<1280xf32, #tpu.memory_space<vmem>>
      %dma_wait3A_353 = arith.constant 0 : i32
      %dma_wait3A_354 = tpu.memref_slice %arg4[%add3A, %scan3A_302, %dma_wait3A_353] : memref<32x125x1280xf32, #tpu.memory_space<hbm>> -> memref<1x1x1280xf32, #tpu.memory_space<hbm>>
      %dma_wait3A_355 = tpu.memref_squeeze %dma_wait3A_354 : memref<1x1x1280xf32, #tpu.memory_space<hbm>> -> memref<1280xf32, #tpu.memory_space<hbm>>
      tpu.wait_dma2 semaphore(%arg11 : memref<!tpu.dma_semaphore, #tpu.memory_space<semaphore_mem>>) src(%dma_wait3A_355 : memref<1280xf32, #tpu.memory_space<hbm>>) dst(%dma_wait3A_352 : memref<1280xf32, #tpu.memory_space<vmem>>)
      %parallel_loop3A = arith.constant 0 : i32
      %parallel_loop3A_356 = arith.constant 80 : i32
      %parallel_loop3A_357 = arith.constant 1 : i32
      scf.for %parallel_loop3A_369 = %parallel_loop3A to %parallel_loop3A_356 step %parallel_loop3A_357  : i32 {
        %parallel_loop3A_370 = arith.constant 16 : i32
        %parallel_loop3A_371 = arith.muli %parallel_loop3A_369, %parallel_loop3A_370 : i32
        %parallel_loop3A_372 = arith.index_cast %rem3A_307 : i32 to index
        %parallel_loop3A_373 = arith.index_cast %parallel_loop3A_371 : i32 to index
        %parallel_loop3A_374 = tpu.vector_load %arg7[%parallel_loop3A_372, %parallel_loop3A_373] {strides = array<i32>} : memref<4x1280xf32, #tpu.memory_space<vmem>>, vector<1x16xf32>,
        %parallel_loop3A_375 = vector.shape_cast %parallel_loop3A_374 : vector<1x16xf32> to vector<16xf32>
        %parallel_loop3A_376 = arith.index_cast %rem3A_303 : i32 to index
        %parallel_loop3A_377 = arith.index_cast %parallel_loop3A_369 : i32 to index
        %parallel_loop3A_378 = arith.constant 0 : index
        %parallel_loop3A_379 = tpu.vector_load %arg8[%parallel_loop3A_376, %parallel_loop3A_377, %parallel_loop3A_378] {strides = array<i32>} : memref<4x80x128xf32, #tpu.memory_space<vmem>>, vector<1x1x16xf32>,
        %parallel_loop3A_380 = vector.shape_cast %parallel_loop3A_379 : vector<1x1x16xf32> to vector<16xf32>
        %parallel_loop3A_381 = arith.mulf %parallel_loop3A_380, %parallel_loop3A_375 : vector<16xf32>
        %parallel_loop3A_382 = arith.index_cast %rem3A_303 : i32 to index
        %parallel_loop3A_383 = arith.index_cast %parallel_loop3A_369 : i32 to index
        %parallel_loop3A_384 = arith.constant 0 : index
        %parallel_loop3A_385 = tpu.vector_load %arg8[%parallel_loop3A_382, %parallel_loop3A_383, %parallel_loop3A_384] {strides = array<i32>} : memref<4x80x128xf32, #tpu.memory_space<vmem>>, vector<1x1x16xf32>,
        %parallel_loop3A_386 = vector.shape_cast %parallel_loop3A_385 : vector<1x1x16xf32> to vector<16xf32>
        %parallel_loop3A_387 = vector.shape_cast %parallel_loop3A_381 : vector<16xf32> to vector<1x1x16xf32>
        tpu.vector_store %arg8[%parallel_loop3A_382, %parallel_loop3A_383, %parallel_loop3A_384], %parallel_loop3A_387 {strides = array<i32>} : memref<4x80x128xf32, #tpu.memory_space<vmem>>, vector<1x1x16xf32>,
        %parallel_loop3A_388 = arith.index_cast %rem3A_303 : i32 to index
        %parallel_loop3A_389 = arith.index_cast %parallel_loop3A_369 : i32 to index
        %parallel_loop3A_390 = arith.constant 16 : index
        %parallel_loop3A_391 = tpu.vector_load %arg8[%parallel_loop3A_388, %parallel_loop3A_389, %parallel_loop3A_390] {strides = array<i32>} : memref<4x80x128xf32, #tpu.memory_space<vmem>>, vector<1x1x16xf32>,
        %parallel_loop3A_392 = vector.shape_cast %parallel_loop3A_391 : vector<1x1x16xf32> to vector<16xf32>
        %parallel_loop3A_393 = arith.mulf %parallel_loop3A_392, %parallel_loop3A_375 : vector<16xf32>
        %parallel_loop3A_394 = arith.index_cast %rem3A_303 : i32 to index
        %parallel_loop3A_395 = arith.index_cast %parallel_loop3A_369 : i32 to index
        %parallel_loop3A_396 = arith.constant 16 : index
        %parallel_loop3A_397 = tpu.vector_load %arg8[%parallel_loop3A_394, %parallel_loop3A_395, %parallel_loop3A_396] {strides = array<i32>} : memref<4x80x128xf32, #tpu.memory_space<vmem>>, vector<1x1x16xf32>,
        %parallel_loop3A_398 = vector.shape_cast %parallel_loop3A_397 : vector<1x1x16xf32> to vector<16xf32>
        %parallel_loop3A_399 = vector.shape_cast %parallel_loop3A_393 : vector<16xf32> to vector<1x1x16xf32>
        tpu.vector_store %arg8[%parallel_loop3A_394, %parallel_loop3A_395, %parallel_loop3A_396], %parallel_loop3A_399 {strides = array<i32>} : memref<4x80x128xf32, #tpu.memory_space<vmem>>, vector<1x1x16xf32>,
        %parallel_loop3A_400 = arith.index_cast %rem3A_303 : i32 to index
        %parallel_loop3A_401 = arith.index_cast %parallel_loop3A_369 : i32 to index
        %parallel_loop3A_402 = arith.constant 32 : index
        %parallel_loop3A_403 = tpu.vector_load %arg8[%parallel_loop3A_400, %parallel_loop3A_401, %parallel_loop3A_402] {strides = array<i32>} : memref<4x80x128xf32, #tpu.memory_space<vmem>>, vector<1x1x16xf32>,
        %parallel_loop3A_404 = vector.shape_cast %parallel_loop3A_403 : vector<1x1x16xf32> to vector<16xf32>
        %parallel_loop3A_405 = arith.mulf %parallel_loop3A_404, %parallel_loop3A_375 : vector<16xf32>
        %parallel_loop3A_406 = arith.index_cast %rem3A_303 : i32 to index
        %parallel_loop3A_407 = arith.index_cast %parallel_loop3A_369 : i32 to index
        %parallel_loop3A_408 = arith.constant 32 : index
        %parallel_loop3A_409 = tpu.vector_load %arg8[%parallel_loop3A_406, %parallel_loop3A_407, %parallel_loop3A_408] {strides = array<i32>} : memref<4x80x128xf32, #tpu.memory_space<vmem>>, vector<1x1x16xf32>,
        %parallel_loop3A_410 = vector.shape_cast %parallel_loop3A_409 : vector<1x1x16xf32> to vector<16xf32>
        %parallel_loop3A_411 = vector.shape_cast %parallel_loop3A_405 : vector<16xf32> to vector<1x1x16xf32>
        tpu.vector_store %arg8[%parallel_loop3A_406, %parallel_loop3A_407, %parallel_loop3A_408], %parallel_loop3A_411 {strides = array<i32>} : memref<4x80x128xf32, #tpu.memory_space<vmem>>, vector<1x1x16xf32>,
        %parallel_loop3A_412 = arith.index_cast %rem3A_303 : i32 to index
        %parallel_loop3A_413 = arith.index_cast %parallel_loop3A_369 : i32 to index
        %parallel_loop3A_414 = arith.constant 48 : index
        %parallel_loop3A_415 = tpu.vector_load %arg8[%parallel_loop3A_412, %parallel_loop3A_413, %parallel_loop3A_414] {strides = array<i32>} : memref<4x80x128xf32, #tpu.memory_space<vmem>>, vector<1x1x16xf32>,
        %parallel_loop3A_416 = vector.shape_cast %parallel_loop3A_415 : vector<1x1x16xf32> to vector<16xf32>
        %parallel_loop3A_417 = arith.mulf %parallel_loop3A_416, %parallel_loop3A_375 : vector<16xf32>
        %parallel_loop3A_418 = arith.index_cast %rem3A_303 : i32 to index
        %parallel_loop3A_419 = arith.index_cast %parallel_loop3A_369 : i32 to index
        %parallel_loop3A_420 = arith.constant 48 : index
        %parallel_loop3A_421 = tpu.vector_load %arg8[%parallel_loop3A_418, %parallel_loop3A_419, %parallel_loop3A_420] {strides = array<i32>} : memref<4x80x128xf32, #tpu.memory_space<vmem>>, vector<1x1x16xf32>,
        %parallel_loop3A_422 = vector.shape_cast %parallel_loop3A_421 : vector<1x1x16xf32> to vector<16xf32>
        %parallel_loop3A_423 = vector.shape_cast %parallel_loop3A_417 : vector<16xf32> to vector<1x1x16xf32>
        tpu.vector_store %arg8[%parallel_loop3A_418, %parallel_loop3A_419, %parallel_loop3A_420], %parallel_loop3A_423 {strides = array<i32>} : memref<4x80x128xf32, #tpu.memory_space<vmem>>, vector<1x1x16xf32>,
        %parallel_loop3A_424 = arith.index_cast %rem3A_303 : i32 to index
        %parallel_loop3A_425 = arith.index_cast %parallel_loop3A_369 : i32 to index
        %parallel_loop3A_426 = arith.constant 64 : index
        %parallel_loop3A_427 = tpu.vector_load %arg8[%parallel_loop3A_424, %parallel_loop3A_425, %parallel_loop3A_426] {strides = array<i32>} : memref<4x80x128xf32, #tpu.memory_space<vmem>>, vector<1x1x16xf32>,
        %parallel_loop3A_428 = vector.shape_cast %parallel_loop3A_427 : vector<1x1x16xf32> to vector<16xf32>
        %parallel_loop3A_429 = arith.mulf %parallel_loop3A_428, %parallel_loop3A_375 : vector<16xf32>
        %parallel_loop3A_430 = arith.index_cast %rem3A_303 : i32 to index
        %parallel_loop3A_431 = arith.index_cast %parallel_loop3A_369 : i32 to index
        %parallel_loop3A_432 = arith.constant 64 : index
        %parallel_loop3A_433 = tpu.vector_load %arg8[%parallel_loop3A_430, %parallel_loop3A_431, %parallel_loop3A_432] {strides = array<i32>} : memref<4x80x128xf32, #tpu.memory_space<vmem>>, vector<1x1x16xf32>,
        %parallel_loop3A_434 = vector.shape_cast %parallel_loop3A_433 : vector<1x1x16xf32> to vector<16xf32>
        %parallel_loop3A_435 = vector.shape_cast %parallel_loop3A_429 : vector<16xf32> to vector<1x1x16xf32>
        tpu.vector_store %arg8[%parallel_loop3A_430, %parallel_loop3A_431, %parallel_loop3A_432], %parallel_loop3A_435 {strides = array<i32>} : memref<4x80x128xf32, #tpu.memory_space<vmem>>, vector<1x1x16xf32>,
        %parallel_loop3A_436 = arith.index_cast %rem3A_303 : i32 to index
        %parallel_loop3A_437 = arith.index_cast %parallel_loop3A_369 : i32 to index
        %parallel_loop3A_438 = arith.constant 80 : index
        %parallel_loop3A_439 = tpu.vector_load %arg8[%parallel_loop3A_436, %parallel_loop3A_437, %parallel_loop3A_438] {strides = array<i32>} : memref<4x80x128xf32, #tpu.memory_space<vmem>>, vector<1x1x16xf32>,
        %parallel_loop3A_440 = vector.shape_cast %parallel_loop3A_439 : vector<1x1x16xf32> to vector<16xf32>
        %parallel_loop3A_441 = arith.mulf %parallel_loop3A_440, %parallel_loop3A_375 : vector<16xf32>
        %parallel_loop3A_442 = arith.index_cast %rem3A_303 : i32 to index
        %parallel_loop3A_443 = arith.index_cast %parallel_loop3A_369 : i32 to index
        %parallel_loop3A_444 = arith.constant 80 : index
        %parallel_loop3A_445 = tpu.vector_load %arg8[%parallel_loop3A_442, %parallel_loop3A_443, %parallel_loop3A_444] {strides = array<i32>} : memref<4x80x128xf32, #tpu.memory_space<vmem>>, vector<1x1x16xf32>,
        %parallel_loop3A_446 = vector.shape_cast %parallel_loop3A_445 : vector<1x1x16xf32> to vector<16xf32>
        %parallel_loop3A_447 = vector.shape_cast %parallel_loop3A_441 : vector<16xf32> to vector<1x1x16xf32>
        tpu.vector_store %arg8[%parallel_loop3A_442, %parallel_loop3A_443, %parallel_loop3A_444], %parallel_loop3A_447 {strides = array<i32>} : memref<4x80x128xf32, #tpu.memory_space<vmem>>, vector<1x1x16xf32>,
        %parallel_loop3A_448 = arith.index_cast %rem3A_303 : i32 to index
        %parallel_loop3A_449 = arith.index_cast %parallel_loop3A_369 : i32 to index
        %parallel_loop3A_450 = arith.constant 96 : index
        %parallel_loop3A_451 = tpu.vector_load %arg8[%parallel_loop3A_448, %parallel_loop3A_449, %parallel_loop3A_450] {strides = array<i32>} : memref<4x80x128xf32, #tpu.memory_space<vmem>>, vector<1x1x16xf32>,
        %parallel_loop3A_452 = vector.shape_cast %parallel_loop3A_451 : vector<1x1x16xf32> to vector<16xf32>
        %parallel_loop3A_453 = arith.mulf %parallel_loop3A_452, %parallel_loop3A_375 : vector<16xf32>
        %parallel_loop3A_454 = arith.index_cast %rem3A_303 : i32 to index
        %parallel_loop3A_455 = arith.index_cast %parallel_loop3A_369 : i32 to index
        %parallel_loop3A_456 = arith.constant 96 : index
        %parallel_loop3A_457 = tpu.vector_load %arg8[%parallel_loop3A_454, %parallel_loop3A_455, %parallel_loop3A_456] {strides = array<i32>} : memref<4x80x128xf32, #tpu.memory_space<vmem>>, vector<1x1x16xf32>,
        %parallel_loop3A_458 = vector.shape_cast %parallel_loop3A_457 : vector<1x1x16xf32> to vector<16xf32>
        %parallel_loop3A_459 = vector.shape_cast %parallel_loop3A_453 : vector<16xf32> to vector<1x1x16xf32>
        tpu.vector_store %arg8[%parallel_loop3A_454, %parallel_loop3A_455, %parallel_loop3A_456], %parallel_loop3A_459 {strides = array<i32>} : memref<4x80x128xf32, #tpu.memory_space<vmem>>, vector<1x1x16xf32>,
        %parallel_loop3A_460 = arith.index_cast %rem3A_303 : i32 to index
        %parallel_loop3A_461 = arith.index_cast %parallel_loop3A_369 : i32 to index
        %parallel_loop3A_462 = arith.constant 112 : index
        %parallel_loop3A_463 = tpu.vector_load %arg8[%parallel_loop3A_460, %parallel_loop3A_461, %parallel_loop3A_462] {strides = array<i32>} : memref<4x80x128xf32, #tpu.memory_space<vmem>>, vector<1x1x16xf32>,
        %parallel_loop3A_464 = vector.shape_cast %parallel_loop3A_463 : vector<1x1x16xf32> to vector<16xf32>
        %parallel_loop3A_465 = arith.mulf %parallel_loop3A_464, %parallel_loop3A_375 : vector<16xf32>
        %parallel_loop3A_466 = arith.index_cast %rem3A_303 : i32 to index
        %parallel_loop3A_467 = arith.index_cast %parallel_loop3A_369 : i32 to index
        %parallel_loop3A_468 = arith.constant 112 : index
        %parallel_loop3A_469 = tpu.vector_load %arg8[%parallel_loop3A_466, %parallel_loop3A_467, %parallel_loop3A_468] {strides = array<i32>} : memref<4x80x128xf32, #tpu.memory_space<vmem>>, vector<1x1x16xf32>,
        %parallel_loop3A_470 = vector.shape_cast %parallel_loop3A_469 : vector<1x1x16xf32> to vector<16xf32>
        %parallel_loop3A_471 = vector.shape_cast %parallel_loop3A_465 : vector<16xf32> to vector<1x1x16xf32>
        tpu.vector_store %arg8[%parallel_loop3A_466, %parallel_loop3A_467, %parallel_loop3A_468], %parallel_loop3A_471 {strides = array<i32>} : memref<4x80x128xf32, #tpu.memory_space<vmem>>, vector<1x1x16xf32>,
      } {sc.loop_unroll_factor = 4 : i64, sc.parallel_access}
      %dma_start3A_358 = arith.constant 1 : i32
      %dma_start3A_359 = arith.constant 0 : i32
      %dma_start3A_360 = arith.constant 0 : i32
      %dma_start3A_361 = tpu.memref_slice %arg8[%rem3A_303, %dma_start3A_359, %dma_start3A_360] : memref<4x80x128xf32, #tpu.memory_space<vmem>> -> memref<1x80x128xf32, #tpu.memory_space<vmem>>
      %dma_start3A_362 = tpu.memref_squeeze %dma_start3A_361 : memref<1x80x128xf32, #tpu.memory_space<vmem>> -> memref<80x128xf32, #tpu.memory_space<vmem>>
      %dma_start3A_363 = arith.constant 0 : i32
      %dma_start3A_364 = tpu.memref_slice %arg6[%rem3A_305, %dma_start3A_358, %dma_start3A_363] : memref<8x2x80xi32, #tpu.memory_space<vmem>> -> memref<1x1x80xi32, #tpu.memory_space<vmem>>
      %dma_start3A_365 = tpu.memref_squeeze %dma_start3A_364 : memref<1x1x80xi32, #tpu.memory_space<vmem>> -> memref<80xi32, #tpu.memory_space<vmem>>
      %dma_start3A_366 = arith.constant 0 : i32
      %dma_start3A_367 = arith.constant 0 : i32
      %dma_start3A_368 = tpu.memref_slice %arg9[%dma_start3A_366, %dma_start3A_367] : memref<10000x128xf32, #tpu.memory_space<vmem_shared>> -> memref<10000x128xf32, #tpu.memory_space<vmem_shared>>
      tpu.enqueue_indirect_dma source(%dma_start3A_362 : memref<80x128xf32, #tpu.memory_space<vmem>>) target(%dma_start3A_368 : memref<10000x128xf32, #tpu.memory_space<vmem_shared>>) offsets(%dma_start3A_365 : memref<80xi32, #tpu.memory_space<vmem>>) semaphore(%arg13 : memref<!tpu.dma_semaphore, #tpu.memory_space<semaphore_mem>>) {add = true}
    }
    %scan3A_273 = arith.constant 125 : i32
    %dma_wait3A_274 = arith.constant 0 : i32
    %dma_wait3A_275 = arith.constant 4 : i32
    %dma_wait3A_276 = arith.constant 1 : i32
    %dma_wait3A_277 = arith.constant 0 : i32
    %dma_wait3A_278 = arith.constant 0 : i32
    %dma_wait3A_279 = tpu.memref_slice %arg8[%dma_wait3A_274, %dma_wait3A_277, %dma_wait3A_278] : memref<4x80x128xf32, #tpu.memory_space<vmem>> -> memref<1x80x128xf32, #tpu.memory_space<vmem>>
    %dma_wait3A_280 = tpu.memref_squeeze %dma_wait3A_279 : memref<1x80x128xf32, #tpu.memory_space<vmem>> -> memref<80x128xf32, #tpu.memory_space<vmem>>
    %dma_wait3A_281 = arith.constant 0 : i32
    %dma_wait3A_282 = tpu.memref_slice %arg6[%dma_wait3A_275, %dma_wait3A_276, %dma_wait3A_281] : memref<8x2x80xi32, #tpu.memory_space<vmem>> -> memref<1x1x80xi32, #tpu.memory_space<vmem>>
    %dma_wait3A_283 = tpu.memref_squeeze %dma_wait3A_282 : memref<1x1x80xi32, #tpu.memory_space<vmem>> -> memref<80xi32, #tpu.memory_space<vmem>>
    %dma_wait3A_284 = arith.constant 0 : i32
    %dma_wait3A_285 = arith.constant 0 : i32
    %dma_wait3A_286 = tpu.memref_slice %arg9[%dma_wait3A_284, %dma_wait3A_285] : memref<10000x128xf32, #tpu.memory_space<vmem_shared>> -> memref<10000x128xf32, #tpu.memory_space<vmem_shared>>
    tpu.wait_indirect_dma semaphore(%arg13 : memref<!tpu.dma_semaphore, #tpu.memory_space<semaphore_mem>>) src(%dma_wait3A_280 : memref<80x128xf32, #tpu.memory_space<vmem>>) dst(%dma_wait3A_286 : memref<10000x128xf32, #tpu.memory_space<vmem_shared>>)
    %barrier3A_287 = arith.constant 0 : index
    tpu.barrier barrier_id(%barrier3A_287)
    %add3A_288 = arith.constant 0 : i32
    %add3A_289 = arith.addi %arg1, %add3A_288 : i32
    %lt3A_290 = arith.constant 25 : i32
    %lt3A_291 = arith.cmpi slt, %add3A_289, %lt3A_290 : i32
    %convert_element_type3A_292 = arith.extui %lt3A_291 : i1 to i32
    %cond3A_293 = arith.constant 0 : i32
    %cond3A_294 = arith.cmpi ne, %convert_element_type3A_292, %cond3A_293 : i32
    scf.if %cond3A_294 {
      %mul3A_302 = arith.constant 400 : i32
      %mul3A_303 = arith.muli %add3A_289, %mul3A_302 : i32
      "tpu.region"() ({
        %run_scoped3A = tpu.sem_alloc : memref<!tpu.dma_semaphore, #tpu.memory_space<semaphore_mem>>
        %dma_start3A_304 = arith.constant 0 : i32
        %dma_start3A_305 = tpu.memref_slice %arg5[%arg0, %mul3A_303, %dma_start3A_304] : memref<2x10000x128xf32, #tpu.memory_space<hbm>> -> memref<1x400x128xf32, #tpu.memory_space<hbm>>
        %dma_start3A_306 = tpu.memref_squeeze %dma_start3A_305 : memref<1x400x128xf32, #tpu.memory_space<hbm>> -> memref<400x128xf32, #tpu.memory_space<hbm>>
        %dma_start3A_307 = arith.constant 0 : i32
        %dma_start3A_308 = tpu.memref_slice %arg9[%mul3A_303, %dma_start3A_307] : memref<10000x128xf32, #tpu.memory_space<vmem_shared>> -> memref<400x128xf32, #tpu.memory_space<vmem_shared>>
        tpu.enqueue_dma source(%dma_start3A_308 : memref<400x128xf32, #tpu.memory_space<vmem_shared>>) target(%dma_start3A_306 : memref<400x128xf32, #tpu.memory_space<hbm>>) target_semaphore(%run_scoped3A : memref<!tpu.dma_semaphore, #tpu.memory_space<semaphore_mem>>)
        %dma_wait3A_309 = arith.constant 0 : i32
        %dma_wait3A_310 = tpu.memref_slice %arg5[%arg0, %mul3A_303, %dma_wait3A_309] : memref<2x10000x128xf32, #tpu.memory_space<hbm>> -> memref<1x400x128xf32, #tpu.memory_space<hbm>>
        %dma_wait3A_311 = tpu.memref_squeeze %dma_wait3A_310 : memref<1x400x128xf32, #tpu.memory_space<hbm>> -> memref<400x128xf32, #tpu.memory_space<hbm>>
        %dma_wait3A_312 = arith.constant 0 : i32
        %dma_wait3A_313 = tpu.memref_slice %arg9[%mul3A_303, %dma_wait3A_312] : memref<10000x128xf32, #tpu.memory_space<vmem_shared>> -> memref<400x128xf32, #tpu.memory_space<vmem_shared>>
        tpu.wait_dma2 semaphore(%run_scoped3A : memref<!tpu.dma_semaphore, #tpu.memory_space<semaphore_mem>>) src(%dma_wait3A_313 : memref<400x128xf32, #tpu.memory_space<vmem_shared>>) dst(%dma_wait3A_311 : memref<400x128xf32, #tpu.memory_space<hbm>>)
        tpu.yield
      }) : () -> ()
    } else {
    }
    %add3A_295 = arith.constant 16 : i32
    %add3A_296 = arith.addi %arg1, %add3A_295 : i32
    %lt3A_297 = arith.constant 25 : i32
    %lt3A_298 = arith.cmpi slt, %add3A_296, %lt3A_297 : i32
    %convert_element_type3A_299 = arith.extui %lt3A_298 : i1 to i32
    %cond3A_300 = arith.constant 0 : i32
    %cond3A_301 = arith.cmpi ne, %convert_element_type3A_299, %cond3A_300 : i32
    scf.if %cond3A_301 {
      %mul3A_302 = arith.constant 400 : i32
      %mul3A_303 = arith.muli %add3A_296, %mul3A_302 : i32
      "tpu.region"() ({
        %run_scoped3A = tpu.sem_alloc : memref<!tpu.dma_semaphore, #tpu.memory_space<semaphore_mem>>
        %dma_start3A_304 = arith.constant 0 : i32
        %dma_start3A_305 = tpu.memref_slice %arg5[%arg0, %mul3A_303, %dma_start3A_304] : memref<2x10000x128xf32, #tpu.memory_space<hbm>> -> memref<1x400x128xf32, #tpu.memory_space<hbm>>
        %dma_start3A_306 = tpu.memref_squeeze %dma_start3A_305 : memref<1x400x128xf32, #tpu.memory_space<hbm>> -> memref<400x128xf32, #tpu.memory_space<hbm>>
        %dma_start3A_307 = arith.constant 0 : i32
        %dma_start3A_308 = tpu.memref_slice %arg9[%mul3A_303, %dma_start3A_307] : memref<10000x128xf32, #tpu.memory_space<vmem_shared>> -> memref<400x128xf32, #tpu.memory_space<vmem_shared>>
        tpu.enqueue_dma source(%dma_start3A_308 : memref<400x128xf32, #tpu.memory_space<vmem_shared>>) target(%dma_start3A_306 : memref<400x128xf32, #tpu.memory_space<hbm>>) target_semaphore(%run_scoped3A : memref<!tpu.dma_semaphore, #tpu.memory_space<semaphore_mem>>)
        %dma_wait3A_309 = arith.constant 0 : i32
        %dma_wait3A_310 = tpu.memref_slice %arg5[%arg0, %mul3A_303, %dma_wait3A_309] : memref<2x10000x128xf32, #tpu.memory_space<hbm>> -> memref<1x400x128xf32, #tpu.memory_space<hbm>>
        %dma_wait3A_311 = tpu.memref_squeeze %dma_wait3A_310 : memref<1x400x128xf32, #tpu.memory_space<hbm>> -> memref<400x128xf32, #tpu.memory_space<hbm>>
        %dma_wait3A_312 = arith.constant 0 : i32
        %dma_wait3A_313 = tpu.memref_slice %arg9[%mul3A_303, %dma_wait3A_312] : memref<10000x128xf32, #tpu.memory_space<vmem_shared>> -> memref<400x128xf32, #tpu.memory_space<vmem_shared>>
        tpu.wait_dma2 semaphore(%run_scoped3A : memref<!tpu.dma_semaphore, #tpu.memory_space<semaphore_mem>>) src(%dma_wait3A_313 : memref<400x128xf32, #tpu.memory_space<vmem_shared>>) dst(%dma_wait3A_311 : memref<400x128xf32, #tpu.memory_space<hbm>>)
        tpu.yield
      }) : () -> ()
    } else {
    }
    return
  }
}

module attributes {stable_mosaic.version = 14 : i64} {
  func.func @body(%arg0: memref<2x10000x128xf32, #tpu.memory_space<vmem>>, %arg1: memref<1x10000xi32, #tpu.memory_space<vmem>>, %arg2: memref<128x128xf32, #tpu.memory_space<vmem>>, %arg3: memref<1x128xf32, #tpu.memory_space<vmem>>, %arg4: memref<128x10xf32, #tpu.memory_space<vmem>>, %arg5: memref<1x10xf32, #tpu.memory_space<vmem>>, %arg6: memref<128x10xf32, #tpu.memory_space<vmem>>) attributes {dimension_semantics = [], scalar_prefetch = 0 : i64, scratch_operands = 0 : i64, tpu.core_type = #tpu.core_type<tc>} {
    %get3A = arith.constant 0 : index
    %get3A_0 = arith.constant 0 : index
    %get3A_1 = arith.constant 0 : index
    %get3A_2 = vector.load %arg0[%get3A, %get3A_0, %get3A_1] : memref<2x10000x128xf32, #tpu.memory_space<vmem>>, vector<1x10000x128xf32>
    %get3A_3 = vector.shape_cast %get3A_2 : vector<1x10000x128xf32> to vector<10000x128xf32>
    %get3A_4 = arith.constant 1 : index
    %get3A_5 = arith.constant 0 : index
    %get3A_6 = arith.constant 0 : index
    %get3A_7 = vector.load %arg0[%get3A_4, %get3A_5, %get3A_6] : memref<2x10000x128xf32, #tpu.memory_space<vmem>>, vector<1x10000x128xf32>
    %get3A_8 = vector.shape_cast %get3A_7 : vector<1x10000x128xf32> to vector<10000x128xf32>
    %add3A = arith.addf %get3A_3, %get3A_8 : vector<10000x128xf32>
    %get3A_9 = arith.constant 0 : index
    %get3A_10 = arith.constant 0 : index
    %get3A_11 = vector.load %arg2[%get3A_9, %get3A_10] : memref<128x128xf32, #tpu.memory_space<vmem>>, vector<128x128xf32>
    %dot_general3A = arith.constant dense<0.000000e+00> : vector<10000x128xf32>
    %dot_general3A_12 = tpu.matmul %add3A, %get3A_11, %dot_general3A {dimension_numbers = #tpu.dot_dimension_numbers<[1], [0], [0], [1], [0, 0, 1, 1], [], []>, transpose_lhs_hint = false} : vector<10000x128xf32>, vector<128x128xf32>, vector<10000x128xf32> -> vector<10000x128xf32>
    %get3A_13 = arith.constant 0 : index
    %get3A_14 = arith.constant 0 : index
    %get3A_15 = vector.load %arg3[%get3A_13, %get3A_14] : memref<1x128xf32, #tpu.memory_space<vmem>>, vector<1x128xf32>
    %add3A_16 = vector.broadcast %get3A_15 : vector<1x128xf32> to vector<10000x128xf32>
    %add3A_17 = arith.addf %dot_general3A_12, %add3A_16 : vector<10000x128xf32>
    %max3A = arith.constant 0.000000e+00 : f32
    %max3A_18 = vector.broadcast %max3A : f32 to vector<10000x128xf32>
    %max3A_19 = arith.maximumf %add3A_17, %max3A_18 : vector<10000x128xf32>
    %get3A_20 = arith.constant 0 : index
    %get3A_21 = arith.constant 0 : index
    %get3A_22 = vector.load %arg1[%get3A_20, %get3A_21] : memref<1x10000xi32, #tpu.memory_space<vmem>>, vector<1x10000xi32>
    %iota3A = tpu.iota {dimensions = array<i32: 0>} : vector<128x10000xi32>
    %eq3A = vector.broadcast %get3A_22 : vector<1x10000xi32> to vector<128x10000xi32>
    %eq3A_23 = arith.cmpi eq, %eq3A, %iota3A : vector<128x10000xi32>
    %convert_element_type3A = arith.extui %eq3A_23 : vector<128x10000xi1> to vector<128x10000xi32>
    %convert_element_type3A_24 = arith.sitofp %convert_element_type3A : vector<128x10000xi32> to vector<128x10000xf32>
    %dot_general3A_25 = arith.constant dense<0.000000e+00> : vector<128x128xf32>
    %dot_general3A_26 = tpu.matmul %convert_element_type3A_24, %max3A_19, %dot_general3A_25 {dimension_numbers = #tpu.dot_dimension_numbers<[1], [0], [0], [1], [0, 0, 1, 1], [], []>, transpose_lhs_hint = false} : vector<128x10000xf32>, vector<10000x128xf32>, vector<128x128xf32> -> vector<128x128xf32>
    %get3A_27 = arith.constant 0 : index
    %get3A_28 = arith.constant 0 : index
    %get3A_29 = vector.load %arg4[%get3A_27, %get3A_28] : memref<128x10xf32, #tpu.memory_space<vmem>>, vector<128x10xf32>
    %dot_general3A_30 = arith.constant dense<0.000000e+00> : vector<128x10xf32>
    %dot_general3A_31 = tpu.matmul %dot_general3A_26, %get3A_29, %dot_general3A_30 {dimension_numbers = #tpu.dot_dimension_numbers<[1], [0], [0], [1], [0, 0, 1, 1], [], []>, transpose_lhs_hint = false} : vector<128x128xf32>, vector<128x10xf32>, vector<128x10xf32> -> vector<128x10xf32>
    %get3A_32 = arith.constant 0 : index
    %get3A_33 = arith.constant 0 : index
    %get3A_34 = vector.load %arg5[%get3A_32, %get3A_33] : memref<1x10xf32, #tpu.memory_space<vmem>>, vector<1x10xf32>
    %add3A_35 = vector.broadcast %get3A_34 : vector<1x10xf32> to vector<128x10xf32>
    %add3A_36 = arith.addf %dot_general3A_31, %add3A_35 : vector<128x10xf32>
    %swap3A = arith.constant 0 : index
    %swap3A_37 = arith.constant 0 : index
    %swap3A_38 = vector.load %arg6[%swap3A, %swap3A_37] : memref<128x10xf32, #tpu.memory_space<vmem>>, vector<128x10xf32>
    tpu.vector_store %arg6[%swap3A, %swap3A_37], %add3A_36 {strides = array<i32>} : memref<128x10xf32, #tpu.memory_space<vmem>>, vector<128x10xf32>,
    return
  }
}

</mosaic_0001>

<sc_bundles>
// kernel: kernel.4.cloned.1.call-start
scs
__scs_entry_jumppad:
0x0: {  	(pc) =	sbr.rel $0x88, $3  }
0x1: {  	(tag) =	ssettag $0x0;
	lr =	simm.s32 $0x1  }
0x2: {  	[smem:$0x3F99] =	sst lr;
	_ =	strace $0xD0000000  }
0x3: {  	_ = 	snop  }
0x4: {  	_ = 	snop  }
0x5: {  	_ = 	snop  }
0x6: {  	_ = 	snop  }
0x7: {  	_ = 	snop  }
__scs_overlays_trampoline_lowered:
0x8: {  	[smem:$0x3FA8] =	sst s0  }
0x9: {  	[smem:$0x3FA9] =	sst s1  }
0xa: {  	[smem:$0x3FAA] =	sst s2  }
0xb: {  	[smem:$0x3FAB] =	sst s3  }
0xc: {  	[smem:$0x3FAC] =	sst s4  }
0xd: {  	[smem:$0x3FAD] =	sst s5  }
0xe: {  	[smem:$0x3FAE] =	sst s6  }
0xf: {  	[smem:$0x3FAF] =	sst s7  }
0x10: {  	[smem:$0x3FB0] =	sst s8  }
0x11: {  	[smem:$0x3FB1] =	sst s9;
	s0 =	simm.s32 @!p0 $0x0  }
0x12: {  	s1 =	sld [smem:$0x3F97];
	s0 =	simm.s32 @p0 $0x1  }
0x13: {  	[smem:$0x3FB2] =	sst s0;
	s0 =	simm.s32 @!p1 $0x0  }
0x14: {  	s2 =	sld [smem:$0x3F96];
	s0 =	simm.s32 @p1 $0x1  }
0x15: {  	[smem:$0x3FB3] =	sst s0;
	s0 =	simm.s32 @!p2 $0x0  }
0x16: {  	s3 =	sld [smem:$0x3FDB];
	s0 =	simm.s32 @p2 $0x1  }
0x17: {  	s4 =	simm.s32 $0x1BF5;
	[smem:$0x3FB5] =	sst s0  }
0x18: {  	s0 =	sld [smem:$0x3F98];
	_ =	swait.ge [sflag:s4], $0x0  }
0x19: {  	s7 =	sld [smem:$0x3F99]  }
0x1a: {  	s8 =	sadd.s32 $0xFFFFE003, lr  }
0x1b: {  	s9 =	sadd.s32 $0xFFFFFEF7, lr;
	s5 =	simm.s32 $0xFFFFFFFF;
	p2 =	slt.u32 s8, $0xFFFFF086  }
0x1c: {  	p1 =	slt.u32 s9, $0xF7A;
	s5 =	simm.s32 @!p2 $0x0  }
0x1d: {  	s5 =	simm.s32 @p1 $0x1;
	p0 =	seq.s32 s7, s2  }
0x1e: {  	s7 =	smul.u32 @!p0 $0xF7A, s2;
	p2 =	seq.s32 @!p0 s5, $0x0  }
0x1f: {  	s9 =	smul.u32 $0xF7A, s1;
	s8 =	simm.s32 @!p0 $0x1BF5;
	p2 =	por !p2, p0  }
0x20: {  	[sflag:s8] =	ssyncset.s32 @!p0 $0xFFFFF086;
	s6 =	sadd.s32 @!p0 s3, s7;
	s7 =	simm.s32 @!p0 $0x108  }
0x21: {  	s3 =	sadd.s32 s3, s9;
	s6 =	sadd.s32 @!p0 $0x88, s6;
	s7 =	simm.s32 @p2 $0x1082  }
0x22: {  	[simem:s7], [sflag:s8] =	dma.local @!p0 [hbm:s6], $0xF7A  }
0x23: {  	s9 =	sor.u32 $0xD0000000, s2;
	s6 =	simm.s32 $0x108;
	_ =	swait.ge @!p0 [sflag:s8], $0x0  }
0x24: {  	s3 =	sadd.s32 $0x88, s3;
	s6 =	simm.s32 @!p1 $0x1082;
	[sflag:s4] =	ssyncset.s32 $0xFFFFF086  }
0x25: {  	[simem:s6], [sflag:s4] =	dma.local [hbm:s3], $0xF7A  }
0x26: {  	[smem:$0x3F99] =	sst s1;
	(tag) =	ssettag s2;
	_ =	strace s9  }
0x27: {  	s1 =	sld [smem:$0x3FA9]  }
0x28: {  	s2 =	sld [smem:$0x3FAA]  }
0x29: {  	s4 =	sld [smem:$0x3FAC]  }
0x2a: {  	p0 =	seq.s32 s5, $0x0;
	s5 =	sld [smem:$0x3FAD]  }
0x2b: {  	s6 =	sld [smem:$0x3FAE]  }
0x2c: {  	s7 =	sld [smem:$0x3FAF]  }
0x2d: {  	s3 =	simm.s32 $0x108;
	s8 =	sld [smem:$0x3FB0]  }
0x2e: {  	s3 =	simm.s32 @!p0 $0x1082;
	s9 =	sld [smem:$0x3FB1]  }
0x2f: {  	lr =	sadd.s32 s0, s3;
	s0 =	sld [smem:$0x3FA8]  }
0x30: {  	s3 =	sld [smem:$0x3FAB]  }
0x31: {  	[smem:$0x3FB4] =	sst s10  }
0x32: {  	s10 =	sld [smem:$0x3FB2];
	_ =	sdelay $0x3  }
0x33: {  	p0 =	seq.s32 s10, $0x1;
	s10 =	sld [smem:$0x3FB4];
	_ =	sdelay $0x3  }
0x34: {  	[smem:$0x3FB4] =	sst s10  }
0x35: {  	s10 =	sld [smem:$0x3FB3];
	_ =	sdelay $0x3  }
0x36: {  	p1 =	seq.s32 s10, $0x1;
	s10 =	sld [smem:$0x3FB4];
	_ =	sdelay $0x3  }
0x37: {  	[smem:$0x3FB4] =	sst s10  }
0x38: {  	s10 =	sld [smem:$0x3FB5]  }
0x39: {  	_ = 	snop;
	(pc) =	sbr.ind lr, $3  }
0x3a: {  	_ = 	snop  }
0x3b: {  	_ = 	snop  }
0x3c: {  	p2 =	seq.s32 s10, $0x1;
	s10 =	sld [smem:$0x3FB4]  }
0x3d: {  	_ =	shalt  }
0x3e: {  	_ =	shalt  }
0x3f: {  	_ =	shalt  }
0x40: {  	_ =	shalt  }
0x41: {  	_ =	shalt  }
0x42: {  	_ =	shalt  }
0x43: {  	_ =	shalt  }
0x44: {  	_ =	shalt  }
0x45: {  	_ =	shalt  }
0x46: {  	_ =	shalt  }
0x47: {  	_ =	shalt  }
0x48: {  	_ =	shalt  }
0x49: {  	_ =	shalt  }
0x4a: {  	_ =	shalt  }
0x4b: {  	_ =	shalt  }
0x4c: {  	_ =	shalt  }
0x4d: {  	_ =	shalt  }
0x4e: {  	_ =	shalt  }
0x4f: {  	_ =	shalt  }
0x50: {  	_ =	shalt  }
0x51: {  	_ =	shalt  }
0x52: {  	_ =	shalt  }
0x53: {  	_ =	shalt  }
0x54: {  	_ =	shalt  }
0x55: {  	_ =	shalt  }
0x56: {  	_ =	shalt  }
0x57: {  	_ =	shalt  }
0x58: {  	_ =	shalt  }
0x59: {  	_ =	shalt  }
0x5a: {  	_ =	shalt  }
0x5b: {  	_ =	shalt  }
0x5c: {  	_ =	shalt  }
0x5d: {  	_ =	shalt  }
0x5e: {  	_ =	shalt  }
0x5f: {  	_ =	shalt  }
0x60: {  	_ =	shalt  }
0x61: {  	_ =	shalt  }
0x62: {  	_ =	shalt  }
0x63: {  	_ =	shalt  }
0x64: {  	_ =	shalt  }
0x65: {  	_ =	shalt  }
0x66: {  	_ =	shalt  }
0x67: {  	_ =	shalt  }
0x68: {  	_ =	shalt  }
0x69: {  	_ =	shalt  }
0x6a: {  	_ =	shalt  }
0x6b: {  	_ =	shalt  }
0x6c: {  	_ =	shalt  }
0x6d: {  	_ =	shalt  }
0x6e: {  	_ =	shalt  }
0x6f: {  	_ =	shalt  }
0x70: {  	_ =	shalt  }
0x71: {  	_ =	shalt  }
0x72: {  	_ =	shalt  }
0x73: {  	_ =	shalt  }
0x74: {  	_ =	shalt  }
0x75: {  	_ =	shalt  }
0x76: {  	_ =	shalt  }
0x77: {  	_ =	shalt  }
0x78: {  	_ =	shalt  }
0x79: {  	_ =	shalt  }
0x7a: {  	_ =	shalt  }
0x7b: {  	_ =	shalt  }
0x7c: {  	_ =	shalt  }
0x7d: {  	_ =	shalt  }
0x7e: {  	_ =	shalt  }
0x7f: {  	_ =	shalt  }
0x80: {  	_ =	shalt  }
0x81: {  	_ =	shalt  }
0x82: {  	_ =	shalt  }
0x83: {  	_ =	shalt  }
0x84: {  	_ =	shalt  }
0x85: {  	_ =	shalt  }
0x86: {  	_ =	shalt  }
0x87: {  	_ =	shalt  }
.Lfunc_end0:
.L_simem_size_0:
called_computation_lowered:
.L_overlay_start_0:
0x88: {  	s2 =	sld [smem:$0x3FD9]  }
0x89: {  	s3 =	sld [smem:$0x3FFE];
	_ =	sdelay $0x1  }
0x8a: {  	s1 =	srdreg.scid  }
0x8b: {  	s0 =	sand.u32 $0x1, s1  }
0x8c: {  	s17 =	sshll.u32 s0, $0xA;
	s2 =	sadd.s32 s3, s2  }
0x8d: {  	s2 =	sadd.s32 s2, s17  }
0x8e: {  	[smem:$0x3FC0] =	sst s2  }
0x8f: {  	_ = 	snop  }
0x90: {  	s2 =	sld [smem:$0x3FC9];
	(tm) =	ssettm $0x1  }
0x91: {  	s18 =	sld [smem:$0x3FFB];
	_ =	sdelay $0x3  }
0x92: {  	_ =	strace s18  }
0x93: {  	s3 =	sld [smem:$0x3FFC];
	_ =	sdelay $0x3  }
0x94: {  	_ =	strace s3  }
0x95: {  	s3 =	sld [smem:$0x3FFD];
	_ =	sdelay $0x3  }
0x96: {  	_ =	strace s3  }
0x97: {  	_ =	strace $0x8FFFFFFF  }
0x98: {  	s19 =	sld [smem:$0x3FDB];
	_ =	sdelay $0x1  }
0x99: {  	s4 =	simm.s32 $_scs_section_size  }
0x9a: {  	s5 =	simm.s32 $_size__tile_overlayer_lowered;
	s6 =	simm.s32 $_tile_overlayer_lowered  }
0x9b: {  	s22 =	simm.s32 $0x1BFF;
	s21 =	sshll.u32 s6, $0x1;
	s3 =	sadd.s32 s4, s19  }
0x9c: {  	s7 =	simm.s32 $0x0;
	s20 =	sshll.u32 s5, $0x1;
	s5 =	sadd.s32 s21, s3  }
0x9d: {  	[timem:s7], [sflag:s22] =	dma.local [hbm:s5], s20  }
0x9e: {  	_ =	swait.ge [sflag:s22], s20  }
0x9f: {  	s4 =	ssub.s32 $0x0, s20;
	[sflag:s22] =	ssyncset.done $0x0  }
0xa0: {  	[sflag:s22] =	ssyncadd.s32 s4;
	_ =	sdelay $0x1  }
0xa1: {  	s23 =	simm.s32 $0x1B8B  }
0xa2: {  	_ =	swait.ge [sflag:s23], $0x1  }
0xa3: {  	[sflag:s23] =	ssyncset.done $0x0  }
0xa4: {  	s25 =	simm.s32 $0x1B8E;
	s24 =	sld [smem:$0x3FFE];
	[sflag:s23] =	ssyncadd.s32 $0xFFFFFFFF  }
0xa5: {  	s26 =	simm.s32 $execute0_lowered;
	[smem:$0x3FD2] =	sst s25  }
0xa6: {  	s5 =	sshll.u32 s26, $0x1;
	_ =	strace $0x80000046;
	[dreg:$0x1] =	wrdreg $0xFFFFFFFF  }
0xa7: {  	s28 =	simm.s32 $_size_execute0_lowered;
	s3 =	sadd.s32 s3, s5;
	[dreg:$0x0] =	wrdreg $0x0  }
0xa8: {  	s5 =	sshll.u32 s28, $0x1;
	[dreg:$0x2] =	wrdreg s3  }
0xa9: {  	[dreg:$0x3] =	wrdreg s5  }
0xaa: {  	[dreg:$0x4] =	wrdreg $0xC0  }
0xab: {  	_ =	task [dreg:s7], $0x5FFFF  }
0xac: {  	[dreg:$0x1] =	wrdreg $0xFFFFFFFF  }
0xad: {  	[dreg:$0x0] =	wrdreg $0x60  }
0xae: {  	[dreg:$0x2] =	wrdreg s2  }
0xaf: {  	[dreg:$0x3] =	wrdreg s24  }
0xb0: {  	[dreg:$0x4] =	wrdreg $0xBC000  }
0xb1: {  	[dreg:$0x5] =	wrdreg $0x9  }
0xb2: {  	_ =	task.clear_ibuf [dreg:s7], $0x6FFFF;
	_ =	strace $0x90000046  }
0xb3: {  	s29 =	simm.s32 $0x9;
	_ =	strace $0x80000048  }
0xb4: {  	_ =	swait.ge [sflag:s29], $0x1  }
0xb5: {  	[sflag:s29] =	ssyncadd.s32 $0xFFFFFFFF  }
0xb6: {  	_ =	strace $0x90000048  }
0xb7: {  	_ =	sfence  }
0xb8: {  	s30 =	sld [smem:$0x0];
	_ =	sdelay $0x2  }
0xb9: {  	s31 =	sshll.u32 s1, $0xD;
	s1 =	sshrl.u32 s1, $0x2  }
0xba: {  	s3 =	sand.u32 $0x4000, s31;
	s1 =	sadd.s32 s1, s30  }
0xbb: {  	s0 =	sor.u32 s3, s0;
	s1 =	sshll.u32 s1, $0x11  }
0xbc: {  	s0 =	sor.u32 s1, s0  }
0xbd: {  	s0 =	sadd.s32 $0x8F2B, s0  }
0xbe: {  	[sflag:s0] =	ssyncadd.remote.s32 $0x1  }
0xbf: {  	_ =	sfence.sel $0xFFFF  }
0xc0: {  	[dreg:$0x0] =	wrdreg $0xFFFFFFFF;
	(pc) =	sbr.abs _section_cstart, $3  }
0xc1: {  	[dreg:$0x1] =	wrdreg $0xFFFFFFFF  }
0xc2: {  	_ =	task.clear_ibuf [dreg:s7], $0x2FFFF;
	_ =	strace $0x9FFFFFFF  }
0xc3: {  	(tm) =	ssettm $0x7FFFFFFF  }
tec
execute0_lowered:
.L_overlay_start_1:
0x0: {  	(tag) =	ssettag $0x1  }
0x1: {  	s1 =	rddreg [dreg:$0x0]  }
0x2: {  	s0 =	rddreg [dreg:$0x1]  }
0x3: {  	s2 =	rddreg [dreg:$0x2];
	s3 =	simm.s32 $0x0;
	s4 =	srdreg.scid  }
0x4: {  	s14 =	stileid.u32;
	s30 =	simm.s32 $0x1C00;
	s31 =	simm.s32 $0x5  }
0x5: {  	[smem:$0x7FF] =	sst s3;
	s5 =	sadd.s32 $0xA0A00, s0;
	s8 =	smul.u32 $0xA000, s14  }
0x6: {  	s6 =	sadd.s32 $0xA00, s0;
	s9 =	sor.u32 $0x10, s14;
	s25 =	smul.u32 $0xC800, s14  }
0x7: {  	s4 =	sand.u32 $0x1, s4;
	s0 =	sadd.s32 $0xBFE00, s0;
	s11 =	smul.u32 $0xA000, s9  }
0x8: {  	s7 =	ssub.s32 $0x2, s4;
	s18 =	sshll.u32 s4, $0x4;
	s4 =	smul.u32 $0x138800, s4  }
0x9: {  	p0 =	sgt.u32 s14, $0xC;
	p1 =	sgt.u32 s14, $0x8;
	s26 =	smul.u32 $0xC800, s9  }
0xa: {  	_ =	strace $0x80000047;
	s9 =	smul.u32 $0x32000, s9;
	s10 =	sshrl.u32 s7, $0x1  }
0xb: {  	s8 =	sshrl.u32 s8, $0x2;
	s13 =	sor.u32 s14, s18;
	s12 =	ssub.s32 s7, s10  }
0xc: {  	s7 =	sadd.s32 s8, s2;
	s19 =	sshrl.u32 s11, $0x2;
	s10 =	smul.u32 $0x7D00, s13  }
0xd: {  	s18 =	smul.u32 $0x28000, s13;
	s11 =	sadd.s32 s25, s4;
	s8 =	sadd.s32 s19, s2  }
0xe: {  	s4 =	sadd.s32 s4, s26;
	s20 =	sadd.s32 $0x50000, s7;
	[dreg:$0x4] =	wrdreg s8  }
0xf: {  	s13 =	simm.s32 $0x4;
	s21 =	sadd.s32 $0x78000, s7;
	[dreg:$0x5] =	wrdreg s20  }
0x10: {  	s22 =	sadd.s32 $0xA0000, s7;
	s23 =	sadd.s32 $0xC8000, s7;
	[dreg:$0x6] =	wrdreg s21  }
0x11: {  	s15 =	sadd.s32 $0xF0000, s7;
	s16 =	sadd.s32 $0x118000, s7;
	[dreg:$0x7] =	wrdreg s22  }
0x12: {  	s17 =	sshrl.u32 s11, $0x3;
	s4 =	sshrl.u32 s4, $0x3;
	[dreg:$0x8] =	wrdreg s23  }
0x13: {  	s25 =	smax.u32 s12, $0x1;
	s11 =	simm.s32 $0x3;
	[dreg:$0x9] =	wrdreg s15  }
0x14: {  	s12 =	simm.s32 $0x2;
	s24 =	sshrl.u32 s10, $0x3;
	[dreg:$0xb] =	wrdreg s16  }
0x15: {  	s16 =	smul.u32 $0x32000, s14;
	s8 =	sadd.s32 s0, s17;
	[dreg:$0x10] =	wrdreg s25  }
0x16: {  	s0 =	sadd.s32 s0, s4;
	s20 =	sshrl.u32 s18, $0x3;
	[dreg:$0xe] =	wrdreg s8  }
0x17: {  	s23 =	sshrl.u32 s9, $0x2;
	s15 =	sadd.s32 s5, s24;
	[dreg:$0xf] =	wrdreg s0  }
0x18: {  	s9 =	simm.s32 $0x50;
	s28 =	sadd.s32 $0x20, s15;
	[dreg:$0xa] =	wrdreg s15  }
0x19: {  	s14 =	simm.s32 $0x0;
	s19 =	sadd.s32 $0x40, s15;
	[dreg:$0xc] =	wrdreg s28  }
0x1a: {  	s21 =	sshrl.u32 s16, $0x2;
	s26 =	sadd.s32 $0x60, s15;
	[dreg:$0xd] =	wrdreg s19  }
0x1b: {  	s24 =	sadd.s32 s21, s2;
	[dreg:$0x13] =	wrdreg s26;
	s28 =	sadd.s32 $0x80, s15  }
0x1c: {  	s4 =	sadd.s32 s23, s2;
	s0 =	sshrl.u32 s24, $0x3;
	[dreg:$0x14] =	wrdreg s28  }
0x1d: {  	s22 =	sadd.s32 s6, s20;
	[dreg:$0x11] =	wrdreg s0;
	s0 =	sshrl.u32 @!p1 s4, $0x3  }
0x1e: {  	v0 =	vimm.f32 $0.0e+00;
	s8 =	simm.s32 $0x1;
	s29 =	sadd.s32 $0x10, s22;
	[dreg:$0x12] =	wrdreg s0  }
.LBB2_1:
0x1f: {  	s0 =	simm.s32 $0x0;
	s4 =	simm.s32 $0x200  }
.LBB2_2:
0x20: {  	p2 =	sne.s32 s4, $0x9E00;
	[tilespmem:s0+$0x1C70] =	vst v0  }
0x21: {  	[tilespmem:s0+$0x1C00] =	vst v0  }
0x22: {  	[tilespmem:s0+$0x1C10] =	vst v0  }
.Ltmp0:
0x23: {  	[tilespmem:s0+$0x1C20] =	vst v0;
	(pc) =	sbr.rel @p2 .LBB2_2-.Ltmp0, $4  }
0x24: {  	[tilespmem:s0+$0x1C30] =	vst v0  }
0x25: {  	[tilespmem:s0+$0x1C40] =	vst v0  }
0x26: {  	[tilespmem:s0+$0x1C50] =	vst v0  }
0x27: {  	[tilespmem:s0+$0x1C60] =	vst v0;
	s0 =	sshra.s32 s4, $0x2;
	s4 =	sadd.s32 $0x200, s4  }
0x28: {  	[tilespmem:s0+$0x1C70] =	vst v0  }
0x29: {  	[tilespmem:s0+$0x1C00] =	vst v0  }
0x2a: {  	[tilespmem:s0+$0x1C10] =	vst v0  }
0x2b: {  	[tilespmem:s0+$0x1C20] =	vst v0  }
0x2c: {  	[tilespmem:s0+$0x1C30] =	vst v0  }
0x2d: {  	[tilespmem:s0+$0x1C40] =	vst v0  }
0x2e: {  	[tilespmem:s0+$0x1C50] =	vst v0  }
0x2f: {  	[tilespmem:s0+$0x1C60] =	vst v0  }
0x30: {  	[spmem:s7] =	stream.linear.scatter [tilespmem:s30], [sflag:$0x5], $0x2800, $0x38;
	[tilespmem:$0x1F480] =	vst v63  }
0x31: {  	_ =	swait.ge [sflag:s31], $0x2800  }
0x32: {  	[sflag:s31] =	ssyncset.done $0x0  }
0x33: {  	s16 =	rddreg [dreg:$0x4];
	[sflag:s31] =	ssyncadd.s32 $0xFFFFD800  }
0x34: {  	[spmem:s16] =	stream.linear.scatter [tilespmem:s30], [sflag:$0x5], $0x2800, $0x38;
	[tilespmem:$0x1F480] =	vst v63  }
0x35: {  	_ =	swait.ge [sflag:s31], $0x2800  }
0x36: {  	[sflag:s31] =	ssyncset.done $0x0  }
0x37: {  	s17 =	rddreg [dreg:$0x5];
	[sflag:s31] =	ssyncadd.s32 $0xFFFFD800  }
0x38: {  	[spmem:s17] =	stream.linear.scatter [tilespmem:s30], [sflag:$0x5], $0x2800, $0x38;
	[tilespmem:$0x1F480] =	vst v63  }
0x39: {  	_ =	swait.ge [sflag:s31], $0x2800  }
0x3a: {  	[sflag:s31] =	ssyncset.done $0x0  }
0x3b: {  	s19 =	rddreg [dreg:$0x6];
	[sflag:s31] =	ssyncadd.s32 $0xFFFFD800  }
0x3c: {  	[spmem:s19] =	stream.linear.scatter [tilespmem:s30], [sflag:$0x5], $0x2800, $0x38;
	[tilespmem:$0x1F480] =	vst v63  }
0x3d: {  	_ =	swait.ge [sflag:s31], $0x2800  }
0x3e: {  	[sflag:s31] =	ssyncset.done $0x0  }
0x3f: {  	s20 =	rddreg [dreg:$0x7];
	[sflag:s31] =	ssyncadd.s32 $0xFFFFD800  }
0x40: {  	[spmem:s20] =	stream.linear.scatter [tilespmem:s30], [sflag:$0x5], $0x2800, $0x38;
	[tilespmem:$0x1F480] =	vst v63  }
0x41: {  	_ =	swait.ge [sflag:s31], $0x2800  }
0x42: {  	[sflag:s31] =	ssyncset.done $0x0  }
0x43: {  	s21 =	rddreg [dreg:$0x8];
	[sflag:s31] =	ssyncadd.s32 $0xFFFFD800  }
0x44: {  	[spmem:s21] =	stream.linear.scatter [tilespmem:s30], [sflag:$0x5], $0x2800, $0x38;
	[tilespmem:$0x1F480] =	vst v63  }
0x45: {  	_ =	swait.ge [sflag:s31], $0x2800  }
0x46: {  	[sflag:s31] =	ssyncset.done $0x0  }
0x47: {  	s23 =	rddreg [dreg:$0x9];
	[sflag:s31] =	ssyncadd.s32 $0xFFFFD800  }
0x48: {  	[spmem:s23] =	stream.linear.scatter [tilespmem:s30], [sflag:$0x5], $0x2800, $0x38;
	[tilespmem:$0x1F480] =	vst v63  }
0x49: {  	_ =	swait.ge [sflag:s31], $0x2800  }
0x4a: {  	[sflag:s31] =	ssyncset.done $0x0  }
0x4b: {  	s0 =	simm.s32 @!p0 $0x1C00;
	s4 =	rddreg [dreg:$0xb];
	[sflag:s31] =	ssyncadd.s32 $0xFFFFD800  }
0x4c: {  	[spmem:s4] =	stream.linear.scatter @!p0 [tilespmem:s0], [sflag:$0x5], $0x2800, $0x38;
	[tilespmem:$0x1F480] =	vst v63  }
0x4d: {  	s0 =	simm.s32 @!p0 $0x5  }
0x4e: {  	_ =	swait.ge @!p0 [sflag:s0], $0x2800  }
0x4f: {  	[sflag:s0] =	ssyncset.done @!p0 $0x0  }
0x50: {  	[sflag:s0] =	ssyncadd.s32 @!p0 $0xFFFFD800  }
0x51: {  	[bflag:$0x0] =	sbarrier.arrive $0xFFFF  }
0x52: {  	s16 =	simm.s32 $0x0;
	s24 =	rddreg [dreg:$0xa]  }
0x53: {  	[tilespmem:s16], [sflag:$0x1] =	stream.linear.gather [hbm4b:s24+s16], $0x100, $0x38;
	[tilespmem:$0x1F480] =	vst v63  }
0x54: {  	s4 =	simm.s32 $0x100;
	s25 =	rddreg [dreg:$0xc]  }
0x55: {  	[tilespmem:s4], [sflag:$0x1] =	stream.linear.gather [hbm4b:s25+s16], $0x100, $0x38;
	[tilespmem:$0x1F480] =	vst v63  }
0x56: {  	s15 =	simm.s32 $0x200;
	s26 =	rddreg [dreg:$0xd]  }
0x57: {  	[tilespmem:s15], [sflag:$0x1] =	stream.linear.gather [hbm4b:s26+s16], $0x100, $0x38;
	[tilespmem:$0x1F480] =	vst v63  }
0x58: {  	s17 =	simm.s32 $0x300;
	s28 =	rddreg [dreg:$0x13]  }
0x59: {  	[tilespmem:s17], [sflag:$0x1] =	stream.linear.gather [hbm4b:s28+s16], $0x100, $0x38;
	[tilespmem:$0x1F480] =	vst v63  }
0x5a: {  	s19 =	simm.s32 $0x400;
	s17 =	rddreg [dreg:$0x14]  }
0x5b: {  	[tilespmem:s19], [sflag:$0x1] =	stream.linear.gather [hbm4b:s17+s16], $0x100, $0x38;
	[tilespmem:$0x1F480] =	vst v63  }
0x5c: {  	s20 =	simm.s32 $0x800  }
0x5d: {  	[tilespmem:s20], [sflag:$0x2] =	stream.linear.gather [hbm4b:s22+s16], $0x80, $0x38;
	[tilespmem:$0x1F480] =	vst v63  }
0x5e: {  	s21 =	sadd.s32 $0x80, s22;
	s23 =	simm.s32 $0xA00  }
0x5f: {  	[tilespmem:s23], [sflag:$0x2] =	stream.linear.gather [hbm4b:s21+s16], $0x80, $0x38;
	[tilespmem:$0x1F480] =	vst v63  }
0x60: {  	s24 =	sadd.s32 $0x100, s22;
	s25 =	simm.s32 $0xC00  }
0x61: {  	[tilespmem:s25], [sflag:$0x2] =	stream.linear.gather [hbm4b:s24+s16], $0x80, $0x38;
	[tilespmem:$0x1F480] =	vst v63  }
0x62: {  	s26 =	sadd.s32 $0x180, s22;
	s28 =	simm.s32 $0xE00  }
0x63: {  	[tilespmem:s28], [sflag:$0x2] =	stream.linear.gather [hbm4b:s26+s16], $0x80, $0x38;
	[tilespmem:$0x1F480] =	vst v63  }
0x64: {  	s19 =	sadd.s32 $0x200, s22;
	s20 =	simm.s32 $0x1000  }
0x65: {  	[tilespmem:s20], [sflag:$0x2] =	stream.linear.gather [hbm4b:s19+s16], $0x80, $0x38;
	[tilespmem:$0x1F480] =	vst v63  }
0x66: {  	s21 =	sadd.s32 $0x280, s22;
	s23 =	simm.s32 $0x1200  }
0x67: {  	[tilespmem:s23], [sflag:$0x2] =	stream.linear.gather [hbm4b:s21+s16], $0x80, $0x38;
	[tilespmem:$0x1F480] =	vst v63  }
0x68: {  	s24 =	sadd.s32 $0x300, s22;
	s25 =	simm.s32 $0x1400  }
0x69: {  	[tilespmem:s25], [sflag:$0x2] =	stream.linear.gather [hbm4b:s24+s16], $0x80, $0x38;
	[tilespmem:$0x1F480] =	vst v63  }
0x6a: {  	s26 =	sadd.s32 $0x380, s22;
	s28 =	simm.s32 $0x1600  }
0x6b: {  	[tilespmem:s28], [sflag:$0x2] =	stream.linear.gather [hbm4b:s26+s16], $0x80, $0x38;
	[tilespmem:$0x1F480] =	vst v63  }
0x6c: {  	s17 =	sadd.s32 $0x400, s22;
	s19 =	simm.s32 $0x1800  }
0x6d: {  	[tilespmem:s19], [sflag:$0x2] =	stream.linear.gather [hbm4b:s17+s16], $0x80, $0x38;
	[tilespmem:$0x1F480] =	vst v63  }
0x6e: {  	s20 =	sadd.s32 $0x480, s22;
	s21 =	simm.s32 $0x1A00  }
0x6f: {  	[tilespmem:s21], [sflag:$0x2] =	stream.linear.gather [hbm4b:s20+s16], $0x80, $0x38;
	[tilespmem:$0x1F480] =	vst v63  }
0x70: {  	s23 =	simm.s32 $0x880  }
0x71: {  	[tilespmem:s23], [sflag:$0x2] =	stream.linear.gather [hbm4b:s29+s16], $0x80, $0x38;
	[tilespmem:$0x1F480] =	vst v63  }
0x72: {  	s24 =	sadd.s32 $0x80, s29;
	s25 =	simm.s32 $0xA80  }
0x73: {  	[tilespmem:s25], [sflag:$0x2] =	stream.linear.gather [hbm4b:s24+s16], $0x80, $0x38;
	[tilespmem:$0x1F480] =	vst v63  }
0x74: {  	s26 =	sadd.s32 $0x100, s29;
	s28 =	simm.s32 $0xC80  }
0x75: {  	[tilespmem:s28], [sflag:$0x2] =	stream.linear.gather [hbm4b:s26+s16], $0x80, $0x38;
	[tilespmem:$0x1F480] =	vst v63  }
0x76: {  	s19 =	sadd.s32 $0x180, s29;
	s20 =	simm.s32 $0xE80  }
0x77: {  	[tilespmem:s20], [sflag:$0x2] =	stream.linear.gather [hbm4b:s19+s16], $0x80, $0x38;
	[tilespmem:$0x1F480] =	vst v63  }
0x78: {  	s21 =	sadd.s32 $0x200, s29;
	s23 =	simm.s32 $0x1080  }
0x79: {  	[tilespmem:s23], [sflag:$0x2] =	stream.linear.gather [hbm4b:s21+s16], $0x80, $0x38;
	[tilespmem:$0x1F480] =	vst v63  }
0x7a: {  	s24 =	sadd.s32 $0x280, s29;
	s25 =	simm.s32 $0x1280  }
0x7b: {  	[tilespmem:s25], [sflag:$0x2] =	stream.linear.gather [hbm4b:s24+s16], $0x80, $0x38;
	[tilespmem:$0x1F480] =	vst v63  }
0x7c: {  	s26 =	sadd.s32 $0x300, s29;
	s28 =	simm.s32 $0x1480  }
0x7d: {  	[tilespmem:s28], [sflag:$0x2] =	stream.linear.gather [hbm4b:s26+s16], $0x80, $0x38;
	[tilespmem:$0x1F480] =	vst v63  }
0x7e: {  	s19 =	sadd.s32 $0x380, s29;
	s20 =	simm.s32 $0x1680  }
0x7f: {  	[tilespmem:s20], [sflag:$0x2] =	stream.linear.gather [hbm4b:s19+s16], $0x80, $0x38;
	[tilespmem:$0x1F480] =	vst v63  }
0x80: {  	s21 =	sadd.s32 $0x400, s29;
	s23 =	simm.s32 $0x1880  }
0x81: {  	[tilespmem:s23], [sflag:$0x2] =	stream.linear.gather [hbm4b:s21+s16], $0x80, $0x38;
	[tilespmem:$0x1F480] =	vst v63  }
0x82: {  	s24 =	sadd.s32 $0x480, s29;
	s25 =	simm.s32 $0x1A80  }
0x83: {  	[tilespmem:s25], [sflag:$0x2] =	stream.linear.gather [hbm4b:s24+s16], $0x80, $0x38;
	[tilespmem:$0x1F480] =	vst v63  }
0x84: {  	_ =	swait.ge [sflag:s8], $0x100  }
0x85: {  	[sflag:s8] =	ssyncset.done $0x0  }
0x86: {  	[sflag:s8] =	ssyncadd.s32 $0xFFFFFF00  }
0x87: {  	[tilespmem:s30], [sflag:$0x3] =	stream.indirect.gather [hbm4b:s1+s9], $0x80, s16, s9, $0xb8;
	[tilespmem:$0x1F480] =	vst v63  }
0x88: {  	_ =	swait.ge [sflag:s8], $0x100  }
0x89: {  	[sflag:s8] =	ssyncset.done $0x0  }
0x8a: {  	s26 =	simm.s32 $0x4400;
	[sflag:s8] =	ssyncadd.s32 $0xFFFFFF00  }
0x8b: {  	[tilespmem:s26], [sflag:$0x3] =	stream.indirect.gather [hbm4b:s1+s9], $0x80, s4, s9, $0xb8;
	[tilespmem:$0x1F480] =	vst v63  }
0x8c: {  	_ =	swait.ge [sflag:s8], $0x100  }
0x8d: {  	[sflag:s8] =	ssyncset.done $0x0  }
0x8e: {  	s17 =	simm.s32 $0x0;
	s28 =	simm.s32 $0x6C00;
	[sflag:s8] =	ssyncadd.s32 $0xFFFFFF00  }
0x8f: {  	[tilespmem:s28], [sflag:$0x3] =	stream.indirect.gather [hbm4b:s1+s9], $0x80, s15, s9, $0xb8;
	[tilespmem:$0x1F480] =	vst v63  }
.LBB2_4:
0x90: {  	p2 =	seq.s32 s17, $0x0  }
0x91: {  	p3 =	sgt.u32 @!p2 s17, $0x77  }
0x92: {  	p3 =	por p2, !p3  }
.Ltmp1:
0x93: {  	_ = 	snop;
	(pc) =	sbr.rel @!p3 .LBB2_6-.Ltmp1, $4  }
0x94: {  	s0 =	simm.s32 @!p2 $0x4  }
0x95: {  	_ =	swait.ge @!p2 [sflag:s0], $0x2800  }
0x96: {  	[sflag:s0] =	ssyncset.done @!p2 $0x0  }
0x97: {  	s19 =	sshll.u32 s17, $0x8;
	[sflag:s0] =	ssyncadd.s32 @!p2 $0xFFFFD800  }
.Ltmp2:
0x98: {  	s0 =	sadd.s32 $0x500, s19;
	(pc) =	sbr.rel .LBB2_7-.Ltmp2, $4  }
0x99: {  	s4 =	sadd.s32 s10, s0  }
0x9a: {  	s4 =	sshrl.u32 s4, $0x3  }
0x9b: {  	s0 =	sand.u32 $0x700, s0;
	s4 =	sadd.s32 s5, s4  }
0x9c: {  	[tilespmem:s0], [sflag:$0x1] =	stream.linear.gather [hbm4b:s4+s3], $0x100, $0x38;
	[tilespmem:$0x1F480] =	vst v63  }
.LBB2_6:
0x9d: {  	p2 =	sgt.u32 s17, $0x7A  }
.Ltmp3:
0x9e: {  	_ = 	snop;
	(pc) =	sbr.rel @p2 .LBB2_8-.Ltmp3, $1  }
0x9f: {  	_ =	sdelay $0x3  }
.LBB2_7:
0xa0: {  	s0 =	sadd.s32 $0x2, s17  }
0xa1: {  	s4 =	sshrl.u32 s0, $0x3  }
0xa2: {  	s4 =	smul.u32 $0x2800, s4  }
0xa3: {  	s0 =	sshll.u32 s0, $0x7  }
0xa4: {  	s20 =	sand.u32 $0x380, s0;
	s4 =	sadd.s32 s18, s4  }
0xa5: {  	s4 =	sor.u32 s20, s4  }
0xa6: {  	s0 =	sand.u32 $0x180, s0;
	s4 =	sshrl.u32 s4, $0x3  }
0xa7: {  	s25 =	sor.u32 $0x800, s0;
	s4 =	sadd.s32 s6, s4  }
0xa8: {  	[tilespmem:s25], [sflag:$0x2] =	stream.linear.gather [hbm4b:s4+s3], $0x80, $0x38;
	[tilespmem:$0x1F480] =	vst v63  }
0xa9: {  	s21 =	sor.u32 $0xA00, s0;
	s26 =	sadd.s32 $0x80, s4  }
0xaa: {  	[tilespmem:s21], [sflag:$0x2] =	stream.linear.gather [hbm4b:s26+s3], $0x80, $0x38;
	[tilespmem:$0x1F480] =	vst v63  }
0xab: {  	s15 =	sor.u32 $0xC00, s0;
	s28 =	sadd.s32 $0x100, s4  }
0xac: {  	[tilespmem:s15], [sflag:$0x2] =	stream.linear.gather [hbm4b:s28+s3], $0x80, $0x38;
	[tilespmem:$0x1F480] =	vst v63  }
0xad: {  	s24 =	sor.u32 $0xE00, s0;
	s23 =	sadd.s32 $0x180, s4  }
0xae: {  	[tilespmem:s24], [sflag:$0x2] =	stream.linear.gather [hbm4b:s23+s3], $0x80, $0x38;
	[tilespmem:$0x1F480] =	vst v63  }
0xaf: {  	s25 =	sadd.s32 $0x200, s4;
	s26 =	sor.u32 $0x1000, s0  }
0xb0: {  	[tilespmem:s26], [sflag:$0x2] =	stream.linear.gather [hbm4b:s25+s3], $0x80, $0x38;
	[tilespmem:$0x1F480] =	vst v63  }
0xb1: {  	s28 =	sadd.s32 $0x280, s4;
	s15 =	sor.u32 $0x1200, s0  }
0xb2: {  	[tilespmem:s15], [sflag:$0x2] =	stream.linear.gather [hbm4b:s28+s3], $0x80, $0x38;
	[tilespmem:$0x1F480] =	vst v63  }
0xb3: {  	s21 =	sadd.s32 $0x300, s4;
	s23 =	sor.u32 $0x1400, s0  }
0xb4: {  	[tilespmem:s23], [sflag:$0x2] =	stream.linear.gather [hbm4b:s21+s3], $0x80, $0x38;
	[tilespmem:$0x1F480] =	vst v63  }
0xb5: {  	s24 =	sadd.s32 $0x380, s4;
	s25 =	sor.u32 $0x1600, s0  }
0xb6: {  	[tilespmem:s25], [sflag:$0x2] =	stream.linear.gather [hbm4b:s24+s3], $0x80, $0x38;
	[tilespmem:$0x1F480] =	vst v63  }
0xb7: {  	s26 =	sadd.s32 $0x400, s4;
	s28 =	sor.u32 $0x1800, s0  }
0xb8: {  	[tilespmem:s28], [sflag:$0x2] =	stream.linear.gather [hbm4b:s26+s3], $0x80, $0x38;
	[tilespmem:$0x1F480] =	vst v63  }
0xb9: {  	p2 =	sgt.u32 s17, $0x79;
	s4 =	sadd.s32 $0x480, s4;
	s0 =	sor.u32 $0x1A00, s0  }
0xba: {  	[tilespmem:s0], [sflag:$0x2] =	stream.linear.gather [hbm4b:s4+s3], $0x80, $0x38;
	[tilespmem:$0x1F480] =	vst v63  }
0xbb: {  	s0 =	sadd.s32 @!p2 $0x3, s17  }
0xbc: {  	s4 =	simm.s32 @!p2 $0x1;
	s20 =	sand.u32 @!p2 $0x3, s0  }
0xbd: {  	_ =	swait.ge @!p2 [sflag:s4], $0x100;
	s20 =	smul.u32 @!p2 $0xA000, s20  }
0xbe: {  	[sflag:s4] =	ssyncset.done @!p2 $0x0  }
0xbf: {  	s0 =	sshll.u32 @!p2 s0, $0x8;
	[sflag:s4] =	ssyncadd.s32 @!p2 $0xFFFFFF00;
	s4 =	sshrl.u32 @!p2 s20, $0x2  }
0xc0: {  	s0 =	sand.u32 @!p2 $0x700, s0;
	s20 =	simm.s32 @!p2 $0x50;
	s4 =	sadd.s32 @!p2 $0x1C00, s4  }
0xc1: {  	[tilespmem:s4], [sflag:$0x3] =	stream.indirect.gather @!p2 [hbm4b:s1+s20], $0x80, s0, s20, $0xb8;
	[tilespmem:$0x1F480] =	vst v63  }
.LBB2_8:
0xc2: {  	_ =	swait.ge [sflag:s11], $0x2800  }
0xc3: {  	s4 =	sand.u32 $0x3, s16;
	[sflag:s11] =	ssyncset.done $0x0  }
0xc4: {  	s0 =	sshll.u32 s17, $0x7;
	s4 =	smul.u32 $0xA000, s4;
	[sflag:s11] =	ssyncadd.s32 $0xFFFFD800  }
0xc5: {  	s15 =	simm.s32 $0x0;
	s0 =	sand.u32 $0x180, s0;
	_ =	swait.ge [sflag:s12], $0x500  }
0xc6: {  	s20 =	sand.u32 $0x1E00, s15;
	v1 =	vmov s0;
	s0 =	sshrl.u32 s4, $0x2;
	[sflag:s12] =	ssyncset.done $0x0  }
0xc7: {  	s23 =	sadd.s32 $0x800, s20;
	s20 =	sadd.s32 $0x1D00, s0;
	[sflag:s12] =	ssyncadd.s32 $0xFFFFFB00  }
0xc8: {  	v3 =	vld [tilespmem:s20+$0xF0]  }
0xc9: {  	v5 =	vld [tilespmem:s20+$0xFFFFFF00]  }
0xca: {  	s21 =	simm.s32 $0x30;
	s24 =	sand.u32 $0x40, s15;
	v6 =	vld [tilespmem:s20+$0xFFFFFF10]  }
0xcb: {  	s21 =	sand.u32 $0x70, s21;
	s0 =	sor.u32 s24, s23;
	v7 =	vld [tilespmem:s20+$0xFFFFFF20]  }
0xcc: {  	s21 =	sor.u32 s21, s23;
	v4 =	vld.idx.msk [tilespmem:v1+s0+$0x0 ss:$0x1], $0xffff  }
0xcd: {  	v2 =	vld.idx.msk [tilespmem:v1+s21+$0x0 ss:$0x1], $0xffff  }
0xce: {  	v8 =	vld [tilespmem:s20+$0xFFFFFF30]  }
0xcf: {  	v11 =	vld [tilespmem:s20+$0xFFFFFF60]  }
0xd0: {  	v9 =	vld [tilespmem:s20+$0xFFFFFF40]  }
0xd1: {  	s25 =	simm.s32 $0x10;
	v10 =	vld [tilespmem:s20+$0xFFFFFF50];
	v5 =	vmul.f32 v5, v4  }
0xd2: {  	v13 =	vld [tilespmem:s20+$0xFFFFFF80];
	s0 =	sand.u32 $0x50, s25;
	v3 =	vmul.f32 v3, v2  }
0xd3: {  	v62 =	vld [tilespmem:s20+$0xFFFFFFD0];
	s0 =	sor.u32 s0, s23;
	v6 =	vmul.f32 v6, v4;
	[tilespmem:s20+$0xFFFFFF00] =	vst v5  }
0xd4: {  	v12 =	vld.idx.msk [tilespmem:v1+s0+$0x0 ss:$0x1], $0xffff;
	v11 =	vmul.f32 v11, v4;
	[tilespmem:s20+$0xF0] =	vst v3  }
0xd5: {  	v5 =	vld [tilespmem:s20+$0xFFFFFF70];
	v3 =	vmul.f32 v7, v4;
	[tilespmem:s20+$0xFFFFFF10] =	vst v6  }
0xd6: {  	v7 =	vld [tilespmem:s20+$0xFFFFFF90];
	v6 =	vmul.f32 v8, v4;
	[tilespmem:s20+$0xFFFFFF60] =	vst v11  }
0xd7: {  	v8 =	vld [tilespmem:s20+$0xFFFFFFA0];
	[tilespmem:s20+$0xFFFFFF20] =	vst v3;
	v3 =	vmul.f32 v9, v4  }
0xd8: {  	v9 =	vld [tilespmem:s20+$0xFFFFFFB0];
	[tilespmem:s20+$0xFFFFFF30] =	vst v6;
	v6 =	vmul.f32 v10, v4  }
0xd9: {  	s26 =	simm.s32 $0x20;
	v10 =	vld [tilespmem:s20+$0xFFFFFFC0];
	[tilespmem:s20+$0xFFFFFF40] =	vst v3;
	v3 =	vmul.f32 v13, v12  }
0xda: {  	s0 =	sand.u32 $0x60, s26;
	[tilespmem:s20+$0xFFFFFF50] =	vst v6;
	v6 =	vld [tilespmem:s20+$0xFFFFFFE0];
	v4 =	vmul.f32 v5, v4  }
0xdb: {  	s0 =	sor.u32 s0, s23;
	v5 =	vmul.f32 v7, v12;
	v7 =	vld [tilespmem:s20+$0xFFFFFFF0];
	[tilespmem:s20+$0xFFFFFF80] =	vst v3  }
0xdc: {  	v3 =	vld.idx.msk [tilespmem:v1+s0+$0x0 ss:$0x1], $0xffff;
	[tilespmem:s20+$0xFFFFFF70] =	vst v4;
	v4 =	vmul.f32 v8, v12  }
0xdd: {  	v8 =	vld [tilespmem:s20+$0x0];
	[tilespmem:s20+$0xFFFFFF90] =	vst v5;
	v5 =	vmul.f32 v9, v12  }
0xde: {  	v9 =	vld [tilespmem:s20+$0x10];
	[tilespmem:s20+$0xFFFFFFA0] =	vst v4;
	v4 =	vmul.f32 v10, v12  }
0xdf: {  	v10 =	vld [tilespmem:s20+$0x20];
	[tilespmem:s20+$0xFFFFFFB0] =	vst v5;
	v5 =	vmul.f32 v62, v12  }
0xe0: {  	v11 =	vld [tilespmem:s20+$0x30];
	v7 =	vmul.f32 v7, v12;
	[tilespmem:s20+$0xFFFFFFC0] =	vst v4  }
0xe1: {  	v4 =	vmul.f32 v6, v12;
	v6 =	vld [tilespmem:s20+$0x40];
	[tilespmem:s20+$0xFFFFFFD0] =	vst v5  }
0xe2: {  	v63 =	vld [tilespmem:s20+$0x50];
	v5 =	vmul.f32 v8, v3;
	[tilespmem:s20+$0xFFFFFFF0] =	vst v7  }
0xe3: {  	v9 =	vmul.f32 v9, v3;
	[tilespmem:s20+$0xFFFFFFE0] =	vst v4;
	v4 =	vld [tilespmem:s20+$0x60]  }
0xe4: {  	s28 =	sand.u32 $0x3, s17;
	v8 =	vld [tilespmem:s20+$0x70];
	[tilespmem:s20+$0x0] =	vst v5;
	v5 =	vmul.f32 v10, v3  }
0xe5: {  	s0 =	smul.u32 $0xA000, s28;
	v7 =	vld [tilespmem:s20+$0x80];
	[tilespmem:s20+$0x10] =	vst v9;
	v9 =	vmul.f32 v11, v3  }
0xe6: {  	[tilespmem:s20+$0x20] =	vst v5;
	v11 =	vmul.f32 v6, v3;
	v6 =	vld [tilespmem:s20+$0x90]  }
0xe7: {  	s4 =	simm.s32 $0x40;
	s24 =	simm.s32 $0x100;
	s0 =	sshrl.u32 s0, $0x2;
	v10 =	vmul.f32 v63, v3;
	[tilespmem:s20+$0x30] =	vst v9;
	v5 =	vld [tilespmem:s20+$0xA0]  }
0xe8: {  	s23 =	smov.u32 s20;
	s21 =	sadd.s32 $0x1C00, s0;
	s0 =	simm.s32 $0x0;
	[tilespmem:s20+$0x40] =	vst v11;
	v9 =	vmul.f32 v4, v3;
	v4 =	vld [tilespmem:s20+$0xB0]  }
.LBB2_9:
0xe9: {  	s25 =	sand.u32 $0x1E00, s24;
	s26 =	sadd.s32 $0x30, s4;
	s0 =	sadd.s32 $0x4, s0;
	[tilespmem:s20+$0x50] =	vst v10;
	v3 =	vmul.f32 v8, v3;
	v8 =	vld [tilespmem:s20+$0xC0]  }
0xea: {  	s25 =	sadd.s32 $0x800, s25;
	s26 =	sand.u32 $0x70, s26;
	p2 =	slt.u32 s0, $0x4C;
	[tilespmem:s20+$0x60] =	vst v9;
	v7 =	vmul.f32 v7, v2;
	v9 =	vld [tilespmem:s20+$0xD0]  }
0xeb: {  	s28 =	sadd.s32 $0x10, s4;
	s15 =	sadd.s32 $0x20, s4;
	s26 =	sor.u32 s26, s25;
	[tilespmem:s20+$0x70] =	vst v3;
	v3 =	vmul.f32 v6, v2;
	v6 =	vld [tilespmem:s20+$0xE0]  }
0xec: {  	s28 =	sand.u32 $0x50, s28;
	s15 =	sand.u32 $0x60, s15;
	s20 =	sadd.s32 $0x200, s20;
	v10 =	vld.idx.msk [tilespmem:v1+s26+$0x0 ss:$0x1], $0xffff;
	[tilespmem:s23+$0x80] =	vst v7;
	v5 =	vmul.f32 v5, v2  }
0xed: {  	s28 =	sor.u32 s28, s25;
	s15 =	sor.u32 s15, s25;
	s26 =	sand.u32 $0x40, s4;
	v7 =	vld [tilespmem:s20+$0xF0];
	[tilespmem:s23+$0x90] =	vst v3;
	v3 =	vmul.f32 v4, v2  }
0xee: {  	s25 =	sor.u32 s26, s25;
	v4 =	vld.idx.msk [tilespmem:v1+s28+$0x0 ss:$0x1], $0xffff;
	[tilespmem:s23+$0xA0] =	vst v5;
	v5 =	vmul.f32 v8, v2  }
0xef: {  	v8 =	vld.idx.msk [tilespmem:v1+s25+$0x0 ss:$0x1], $0xffff;
	[tilespmem:s23+$0xB0] =	vst v3;
	v9 =	vmul.f32 v9, v2  }
0xf0: {  	v3 =	vld.idx.msk [tilespmem:v1+s15+$0x0 ss:$0x1], $0xffff;
	[tilespmem:s23+$0xC0] =	vst v5;
	v11 =	vmul.f32 v6, v2  }
0xf1: {  	v5 =	vld [tilespmem:s20+$0xFFFFFF00];
	[tilespmem:s23+$0xD0] =	vst v9  }
0xf2: {  	v2 =	vmov v10;
	v6 =	vld [tilespmem:s20+$0xFFFFFF10];
	v7 =	vmul.f32 v7, v10;
	[tilespmem:s23+$0xE0] =	vst v11;
	s23 =	smov.u32 s20  }
0xf3: {  	v9 =	vld [tilespmem:s20+$0xFFFFFF20]  }
0xf4: {  	v10 =	vld [tilespmem:s20+$0xFFFFFF30];
	[tilespmem:s20+$0xF0] =	vst v7  }
0xf5: {  	v7 =	vld [tilespmem:s20+$0xFFFFFF40]  }
0xf6: {  	v5 =	vmul.f32 v5, v8;
	v11 =	vld [tilespmem:s20+$0xFFFFFF50]  }
0xf7: {  	v6 =	vmul.f32 v6, v8;
	v12 =	vld [tilespmem:s20+$0xFFFFFF60]  }
0xf8: {  	[tilespmem:s20+$0xFFFFFF00] =	vst v5;
	v5 =	vmul.f32 v9, v8;
	v9 =	vld [tilespmem:s20+$0xFFFFFF70]  }
0xf9: {  	[tilespmem:s20+$0xFFFFFF10] =	vst v6;
	v6 =	vmul.f32 v10, v8;
	v10 =	vld [tilespmem:s20+$0xFFFFFF80]  }
0xfa: {  	[tilespmem:s20+$0xFFFFFF20] =	vst v5;
	v5 =	vmul.f32 v7, v8;
	v7 =	vld [tilespmem:s20+$0xFFFFFF90]  }
0xfb: {  	[tilespmem:s20+$0xFFFFFF30] =	vst v6;
	v6 =	vmul.f32 v11, v8;
	v11 =	vld [tilespmem:s20+$0xFFFFFFA0]  }
0xfc: {  	[tilespmem:s20+$0xFFFFFF40] =	vst v5;
	v5 =	vmul.f32 v12, v8;
	v12 =	vld [tilespmem:s20+$0xFFFFFFB0]  }
0xfd: {  	[tilespmem:s20+$0xFFFFFF50] =	vst v6;
	v6 =	vmul.f32 v9, v8;
	v8 =	vld [tilespmem:s20+$0xFFFFFFC0]  }
0xfe: {  	[tilespmem:s20+$0xFFFFFF60] =	vst v5;
	v5 =	vmul.f32 v10, v4;
	v9 =	vld [tilespmem:s20+$0xFFFFFFD0]  }
0xff: {  	[tilespmem:s20+$0xFFFFFF70] =	vst v6;
	v6 =	vmul.f32 v7, v4;
	v7 =	vld [tilespmem:s20+$0xFFFFFFE0]  }
0x100: {  	[tilespmem:s20+$0xFFFFFF80] =	vst v5;
	v5 =	vmul.f32 v11, v4;
	v10 =	vld [tilespmem:s20+$0xFFFFFFF0]  }
0x101: {  	[tilespmem:s20+$0xFFFFFF90] =	vst v6;
	v6 =	vmul.f32 v12, v4;
	v11 =	vld [tilespmem:s20+$0x0]  }
0x102: {  	[tilespmem:s20+$0xFFFFFFA0] =	vst v5;
	v5 =	vmul.f32 v8, v4;
	v8 =	vld [tilespmem:s20+$0x10]  }
0x103: {  	[tilespmem:s20+$0xFFFFFFB0] =	vst v6;
	v6 =	vmul.f32 v9, v4;
	v9 =	vld [tilespmem:s20+$0x20]  }
0x104: {  	[tilespmem:s20+$0xFFFFFFC0] =	vst v5;
	v5 =	vmul.f32 v7, v4;
	v7 =	vld [tilespmem:s20+$0x30]  }
0x105: {  	[tilespmem:s20+$0xFFFFFFD0] =	vst v6;
	v4 =	vmul.f32 v10, v4;
	v6 =	vld [tilespmem:s20+$0x40]  }
0x106: {  	[tilespmem:s20+$0xFFFFFFE0] =	vst v5;
	v5 =	vmul.f32 v11, v3;
	v10 =	vld [tilespmem:s20+$0x50]  }
0x107: {  	[tilespmem:s20+$0xFFFFFFF0] =	vst v4;
	v4 =	vmul.f32 v8, v3;
	v11 =	vld [tilespmem:s20+$0x60]  }
.Ltmp4:
0x108: {  	[tilespmem:s20+$0x0] =	vst v5;
	v5 =	vmul.f32 v9, v3;
	v8 =	vld [tilespmem:s20+$0x70];
	(pc) =	sbr.rel @p2 .LBB2_9-.Ltmp4, $4  }
0x109: {  	[tilespmem:s20+$0x10] =	vst v4;
	v4 =	vmul.f32 v7, v3;
	v7 =	vld [tilespmem:s20+$0x80]  }
0x10a: {  	[tilespmem:s20+$0x20] =	vst v5;
	v9 =	vmul.f32 v6, v3;
	v6 =	vld [tilespmem:s20+$0x90]  }
0x10b: {  	[tilespmem:s20+$0x30] =	vst v4;
	v10 =	vmul.f32 v10, v3;
	v5 =	vld [tilespmem:s20+$0xA0]  }
0x10c: {  	s24 =	sadd.s32 $0x100, s24;
	s4 =	sadd.s32 $0x40, s4;
	[tilespmem:s20+$0x40] =	vst v9;
	v9 =	vmul.f32 v11, v3;
	v4 =	vld [tilespmem:s20+$0xB0]  }
0x10d: {  	[tilespmem:s20+$0x50] =	vst v10;
	v1 =	vmul.f32 v8, v3;
	v3 =	vld [tilespmem:s20+$0xC0]  }
0x10e: {  	v62 =	vld [tilespmem:s20+$0xD0];
	[tilespmem:s20+$0x60] =	vst v9;
	v7 =	vmul.f32 v7, v2  }
0x10f: {  	v63 =	vld [tilespmem:s20+$0xE0];
	[tilespmem:s20+$0x70] =	vst v1;
	v1 =	vmul.f32 v6, v2  }
0x110: {  	[tilespmem:s23+$0x80] =	vst v7;
	v5 =	vmul.f32 v5, v2  }
0x111: {  	s17 =	sadd.s32 $0x1, s17;
	[tilespmem:s23+$0x90] =	vst v1;
	v1 =	vmul.f32 v4, v2  }
0x112: {  	p2 =	sne.s32 s17, $0x7D;
	[tilespmem:s23+$0xA0] =	vst v5;
	v3 =	vmul.f32 v3, v2  }
.Ltmp5:
0x113: {  	[tilespmem:s23+$0xB0] =	vst v1;
	v1 =	vmul.f32 v62, v2;
	(pc) =	sbr.rel @p2 .LBB2_4-.Ltmp5, $4  }
0x114: {  	v2 =	vmul.f32 v63, v2;
	[tilespmem:s23+$0xC0] =	vst v3  }
0x115: {  	s0 =	sand.u32 $0x700, s19;
	[tilespmem:s23+$0xD0] =	vst v1  }
0x116: {  	s16 =	sadd.s32 $0x1, s16;
	s0 =	sor.u32 $0x80, s0;
	[tilespmem:s23+$0xE0] =	vst v2  }
0x117: {  	[spmem:s2] =	stream.indirect.scatter.add.f32 [tilespmem:s21], [sflag:$0x4], $0x80, s0, s9, $0xb8;
	[tilespmem:$0x1F480] =	vst v63  }
0x118: {  	_ =	swait.ge [sflag:s13], $0x2800  }
0x119: {  	[sflag:s13] =	ssyncset.done $0x0  }
0x11a: {  	[sflag:s13] =	ssyncadd.s32 $0xFFFFD800  }
0x11b: {  	s0 =	stileid.u32;
	[bflag:$0x0] =	sbarrier.arrive $0xFFFF  }
0x11c: {  	s0 =	sshll.u32 s0, $0x6;
	s4 =	rddreg [dreg:$0xe]  }
0x11d: {  	s0 =	sor.u32 $0x1C05, s0;
	s15 =	rddreg [dreg:$0x11]  }
0x11e: {  	[hbm:s4], [sflag:s0] =	dma.local [spmem:s15], $0x1900  }
0x11f: {  	_ =	swait.ge [sflag:s31], $0x1900  }
0x120: {  	[sflag:s31] =	ssyncset.done $0x0;
	s4 =	rddreg [dreg:$0xf]  }
0x121: {  	s15 =	rddreg [dreg:$0x12];
	[sflag:s31] =	ssyncadd.s32 $0xFFFFE700  }
0x122: {  	[hbm:s4], [sflag:s0] =	dma.local @!p1 [spmem:s15], $0x1900  }
0x123: {  	s0 =	simm.s32 @!p1 $0x5  }
0x124: {  	_ =	swait.ge @!p1 [sflag:s0], $0x1900  }
0x125: {  	s14 =	sadd.s32 $0x1, s14;
	s28 =	rddreg [dreg:$0x10]  }
0x126: {  	p2 =	sne.s32 s14, s28  }
.Ltmp6:
0x127: {  	_ = 	snop;
	(pc) =	sbr.rel @p2 .LBB2_1-.Ltmp6, $3  }
0x128: {  	_ =	sdelay $0x1  }
0x129: {  	[sflag:s0] =	ssyncset.done @!p1 $0x0  }
0x12a: {  	[sflag:s0] =	ssyncadd.s32 @!p1 $0xFFFFE700  }
0x12b: {  	_ =	sfence.sel $0x180000  }
0x12c: {  	[bflag:$0x0] =	sbarrier.arrive $0xFFFF  }
0x12d: {  	_ =	strace $0x90000047  }
0x12e: {  	s0 =	stileid.u32;
	[bflag:$0x2] =	sbarrier.arrive $0xFFFF  }
0x12f: {  	p0 =	sne.s32 s0, $0x0;
	s0 =	rddreg [dreg:$0x3]  }
0x130: {  	s0 =	sadd.s32 @!p0 $0x100000, s0  }
0x131: {  	[sflag:s0] =	ssyncadd.tile.s32 @!p0 $0x1;
	_ =	shalt  }
.Lfunc_end2:
_tile_overlayer_lowered:
.L_overlay_start_2:
0x132: {  	(tag) =	ssettag $0x2  }
0x133: {  	s0 =	rddreg [dreg:$0x0];
	s2 =	stileid.u32  }
0x134: {  	s1 =	rddreg [dreg:$0x1];
	p0 =	sne.s32 s2, $0x0  }
0x135: {  	s3 =	rddreg [dreg:$0x2];
	[bflag:$0x3] =	sbarrier.arrive $0xFFFF;
	s2 =	simm.s32 @!p0 $0x1C05  }
0x136: {  	[timem:s3], [sflag:s2] =	dma.local @!p0 [hbm:s0], s1  }
0x137: {  	s0 =	simm.s32 @!p0 $0x5  }
0x138: {  	_ =	swait.ge @!p0 [sflag:s0], s1  }
0x139: {  	s1 =	ssub.s32 @!p0 $0x0, s1;
	[sflag:s0] =	ssyncset.done @!p0 $0x0  }
0x13a: {  	[sflag:s0] =	ssyncadd.s32 @!p0 s1  }
0x13b: {  	[bflag:$0x3] =	sbarrier.arrive $0xFFFF  }
0x13c: {  	_ =	shalt  }

</sc_bundles>
